<compile_context>
chip_gen: v7x
topology: tpu7x:2x2x1
jax: 0.10.2.dev20260603
libtpu: 0.0.44.dev20260713+nightly
codegen_flags: <defaults>
</compile_context>

<pallas_src>
import functools

import jax
import jax.numpy as jnp
from jax import lax
from jax.experimental import pallas as pl
from jax.experimental.pallas import tpu as pltpu
from jax.experimental.pallas import tpu_sc as plsc

B = 4096
L = 50
BL = B * L
D = 16
NW = 32
ROWS_W = BL // NW
USERS_W = B // NW
CSZ = 1600
NCHUNK = ROWS_W // CSZ

RP_CB = 8192
RP_GRID = 123
NPACK = RP_GRID * RP_CB


def _rp_body(in_ref, out_ref):
    x = in_ref[...]
    x8 = jnp.concatenate(
        [x[:, 1024 * a:1024 * (a + 1)] for a in range(8)], axis=0)
    out_ref[...] = jnp.transpose(x8)


def _tc_repack(embT):
    return pl.pallas_call(
        _rp_body,
        grid=(RP_GRID,),
        in_specs=[pl.BlockSpec((D, RP_CB), lambda i: (0, i))],
        out_specs=pl.BlockSpec((RP_CB // 8, 8 * D), lambda i: (i, 0)),
        out_shape=jax.ShapeDtypeStruct((NPACK // 8, 8 * D), jnp.float32),
    )(embT).reshape(NPACK, D)


def _permute_idx(r):
    i = r >> 13
    m = r & 8191
    return (i << 13) + ((m & 1023) << 3) + (m >> 10)


def _sc_gather(item_idx, user_idx, t_imlp, t_imf, t_umlp, t_umf):
    f32 = jnp.float32
    mesh = plsc.VectorSubcoreMesh(core_axis_name="c", subcore_axis_name="s")

    @functools.partial(
        pl.kernel,
        mesh=mesh,
        out_type=[
            jax.ShapeDtypeStruct((BL, D), f32),
            jax.ShapeDtypeStruct((BL, D), f32),
            jax.ShapeDtypeStruct((B, D), f32),
            jax.ShapeDtypeStruct((B, D), f32),
        ],
        scratch_types=[
            pltpu.VMEM((CSZ,), jnp.int32),
            pltpu.VMEM((CSZ, D), f32),
            pltpu.VMEM((USERS_W,), jnp.int32),
            pltpu.VMEM((USERS_W, D), f32),
            pltpu.SemaphoreType.DMA,
        ],
        compiler_params=pltpu.CompilerParams(use_tc_tiling_on_sc=False),
    )
    def gather(item_idx_hbm, user_idx_hbm, timlp, timf, tumlp, tumf,
               o_imlp, o_imf, o_umlp, o_umf,
               idx_v, rows_v, uidx_v, urows_v, sem):
        wid = lax.axis_index("s") * 2 + lax.axis_index("c")
        base = wid * ROWS_W
        for tbl, out in ((timlp, o_imlp), (timf, o_imf)):
            for k in range(NCHUNK):
                off = base + k * CSZ
                pltpu.sync_copy(item_idx_hbm.at[pl.ds(off, CSZ)], idx_v)
                pltpu.async_copy(tbl.at[idx_v], rows_v, sem).wait()
                pltpu.sync_copy(rows_v, out.at[pl.ds(off, CSZ)])
        ubase = wid * USERS_W
        pltpu.sync_copy(user_idx_hbm.at[pl.ds(ubase, USERS_W)], uidx_v)
        for tbl, out in ((tumlp, o_umlp), (tumf, o_umf)):
            pltpu.async_copy(tbl.at[uidx_v], urows_v, sem).wait()
            pltpu.sync_copy(urows_v, out.at[pl.ds(ubase, USERS_W)])

    return gather(item_idx, user_idx, t_imlp, t_imf, t_umlp, t_umf)


BB = 128
R = BB * L


def _tc_body(ie_mlp_ref, ie_mf_ref, ue_mlp_ref, ue_mf_ref,
             w0u_ref, w0i_ref, w1_ref, w2_ref, b0_ref, b1_ref, b2_ref,
             wam_ref, waf_ref, ba_ref, out_ref):
    f32 = jnp.float32
    r_iota = lax.broadcasted_iota(jnp.int32, (R, BB), 0)
    c_iota = lax.broadcasted_iota(jnp.int32, (R, BB), 1)
    sel = jnp.where(r_iota // L == c_iota, 1.0, 0.0).astype(f32)
    u0 = jnp.dot(ue_mlp_ref[...], w0u_ref[...], preferred_element_type=f32) + b0_ref[...]
    h = jnp.dot(ie_mlp_ref[...], w0i_ref[...], preferred_element_type=f32)
    h = jnp.maximum(h + jnp.dot(sel, u0, preferred_element_type=f32), 0.0)
    h = jnp.maximum(jnp.dot(h, w1_ref[...], preferred_element_type=f32) + b1_ref[...], 0.0)
    h = jnp.maximum(jnp.dot(h, w2_ref[...], preferred_element_type=f32) + b2_ref[...], 0.0)
    mf = ie_mf_ref[...] * jnp.dot(sel, ue_mf_ref[...], preferred_element_type=f32)
    out_ref[...] = (jnp.dot(h, wam_ref[...], preferred_element_type=f32)
                    + jnp.dot(mf, waf_ref[...], preferred_element_type=f32)
                    + ba_ref[...])


def _tc_mlp(ie_mlp, ie_mf, ue_mlp, ue_mf, w0u, w0i, w1, w2, b0, b1, b2,
            wam, waf, ba):
    full = lambda shape: pl.BlockSpec(shape, lambda i: (0, 0))
    return pl.pallas_call(
        _tc_body,
        grid=(B // BB,),
        in_specs=[
            pl.BlockSpec((R, D), lambda i: (i, 0)),
            pl.BlockSpec((R, D), lambda i: (i, 0)),
            pl.BlockSpec((BB, D), lambda i: (i, 0)),
            pl.BlockSpec((BB, D), lambda i: (i, 0)),
            full((D, 64)),
            full((D, 64)),
            full((64, 32)),
            full((32, D)),
            full((1, 64)),
            full((1, 32)),
            full((1, D)),
            full((D, 1)),
            full((D, 1)),
            full((1, 1)),
        ],
        out_specs=pl.BlockSpec((R, 1), lambda i: (i, 0)),
        out_shape=jax.ShapeDtypeStruct((BL, 1), jnp.float32),
    )(ie_mlp, ie_mf, ue_mlp, ue_mf, w0u, w0i, w1, w2, b0, b1, b2, wam, waf, ba)


def kernel(user_indices, item_indices, emb_user_mlp, emb_item_mlp,
           emb_user_mf, emb_item_mf, W0, b0, W1, b1, W2, b2, Wa, ba):
    item_flat = _permute_idx(item_indices.reshape(-1).astype(jnp.int32))
    user_idx = _permute_idx(user_indices.astype(jnp.int32))
    g_imlp = _tc_repack(emb_item_mlp.T)
    g_imf = _tc_repack(emb_item_mf.T)
    g_umlp = _tc_repack(emb_user_mlp.T)
    g_umf = _tc_repack(emb_user_mf.T)
    ie_mlp, ie_mf, ue_mlp, ue_mf = _sc_gather(
        item_flat, user_idx, g_imlp, g_imf, g_umlp, g_umf)
    out = _tc_mlp(
        ie_mlp, ie_mf, ue_mlp, ue_mf,
        W0[:D], W0[D:], W1, W2,
        b0[None, :], b1[None, :], b2[None, :],
        Wa[:D], Wa[D:], ba[None, :])
    return out.reshape(B, 1, L)

# --- scband reference (transcript-rebuilt; emitter-appended) ---
"""Pipeline reference for scband-ncf-38860864094666 (READ-ONLY COPY).

The authoritative reference and input builder live on the scoring server;
editing this copy changes nothing except your own understanding.
"""

import jax, jax.numpy as jnp
import numpy as np

NUM_USERS = 1000000
NUM_ITEMS = 1000000
MF = 16
MLP = 16
LAYERS = [64, 32, 16]
B = 4096
L = 50


def setup_inputs(seed: int = 0) -> dict:
    key = jax.random.key(seed)
    ks = jax.random.split(key, 16)
    user_indices = jax.random.randint(ks[0], (B,), 0, NUM_USERS, dtype=jnp.int64 if jax.config.jax_enable_x64 else jnp.int32)
    item_indices = jax.random.randint(ks[1], (B, L), 0, NUM_ITEMS, dtype=jnp.int64 if jax.config.jax_enable_x64 else jnp.int32)
    emb_user_mlp = jax.random.normal(ks[2], (NUM_USERS + 1, MLP), dtype=jnp.float32) * 0.05
    emb_item_mlp = jax.random.normal(ks[3], (NUM_ITEMS + 1, MLP), dtype=jnp.float32) * 0.05
    emb_user_mf = jax.random.normal(ks[4], (NUM_USERS + 1, MF), dtype=jnp.float32) * 0.05
    emb_item_mf = jax.random.normal(ks[5], (NUM_ITEMS + 1, MF), dtype=jnp.float32) * 0.05
    sizes = [2 * MLP] + LAYERS
    W0 = jax.random.normal(ks[6], (sizes[0], sizes[1]), dtype=jnp.float32) / np.sqrt(sizes[0])
    b0 = jnp.zeros((sizes[1],), dtype=jnp.float32)
    W1 = jax.random.normal(ks[7], (sizes[1], sizes[2]), dtype=jnp.float32) / np.sqrt(sizes[1])
    b1 = jnp.zeros((sizes[2],), dtype=jnp.float32)
    W2 = jax.random.normal(ks[8], (sizes[2], sizes[3]), dtype=jnp.float32) / np.sqrt(sizes[2])
    b2 = jnp.zeros((sizes[3],), dtype=jnp.float32)
    Wa = jax.random.normal(ks[9], (sizes[3] + MF, 1), dtype=jnp.float32) / np.sqrt(sizes[3] + MF)
    ba = jnp.zeros((1,), dtype=jnp.float32)
    return {
        "user_indices": user_indices,
        "item_indices": item_indices,
        "emb_user_mlp": emb_user_mlp,
        "emb_item_mlp": emb_item_mlp,
        "emb_user_mf": emb_user_mf,
        "emb_item_mf": emb_item_mf,
        "W0": W0, "b0": b0,
        "W1": W1, "b1": b1,
        "W2": W2, "b2": b2,
        "Wa": Wa, "ba": ba,
    }


def reference(user_indices, item_indices, emb_user_mlp, emb_item_mlp, emb_user_mf, emb_item_mf, W0, b0, W1, b1, W2, b2, Wa, ba):
    # item_indices.squeeze() is a no-op for [B, L] with B>1 and L>1
    ue_mlp = jnp.take(emb_user_mlp, user_indices, axis=0)          # [B, MLP]
    ie_mlp = jnp.take(emb_item_mlp, item_indices, axis=0)          # [B, L, MLP]
    ue_mf = jnp.take(emb_user_mf, user_indices, axis=0)            # [B, MF]
    ie_mf = jnp.take(emb_item_mf, item_indices, axis=0)            # [B, L, MF]
    nL = item_indices.shape[1]
    ue_mlp_rep = jnp.broadcast_to(ue_mlp[:, None, :], (ue_mlp.shape[0], nL, ue_mlp.shape[1]))
    ue_mf_rep = jnp.broadcast_to(ue_mf[:, None, :], (ue_mf.shape[0], nL, ue_mf.shape[1]))
    mlp_vector = jnp.concatenate([ue_mlp_rep, ie_mlp], axis=-1)    # [B, L, 2*MLP]
    mf_vector = ue_mf_rep * ie_mf                                  # [B, L, MF]
    mlp_vector = jax.nn.relu(mlp_vector @ W0 + b0)
    mlp_vector = jax.nn.relu(mlp_vector @ W1 + b1)
    mlp_vector = jax.nn.relu(mlp_vector @ W2 + b2)
    vector = jnp.concatenate([mlp_vector, mf_vector], axis=-1)     # [B, L, LAYERS[-1]+MF]
    logits = vector @ Wa + ba                                      # [B, L, 1]
    logits = jnp.squeeze(logits)                                   # [B, L]
    logits = logits[:, None, :]                                    # [B, 1, L]
    return logits

if __name__ == "__main__":
    import jax
    _d = setup_inputs()
    print(jax.jit(kernel)(*tuple(_d.values())))

</pallas_src>

<mosaic_0001>
#map = affine_map<(d0, d1) -> (0)>
#map1 = affine_map<(d0, d1) -> (0, 0)>
module attributes {stable_mosaic.version = 14 : i64} {
  func.func @gather(%arg0: i32, %arg1: i32, %arg2: memref<204800xi32, #tpu.memory_space<hbm>>, %arg3: memref<4096xi32, #tpu.memory_space<hbm>>, %arg4: memref<1007616x16xf32, #tpu.memory_space<hbm>>, %arg5: memref<1007616x16xf32, #tpu.memory_space<hbm>>, %arg6: memref<1007616x16xf32, #tpu.memory_space<hbm>>, %arg7: memref<1007616x16xf32, #tpu.memory_space<hbm>>, %arg8: memref<204800x16xf32, #tpu.memory_space<hbm>>, %arg9: memref<204800x16xf32, #tpu.memory_space<hbm>>, %arg10: memref<4096x16xf32, #tpu.memory_space<hbm>>, %arg11: memref<4096x16xf32, #tpu.memory_space<hbm>>, %arg12: memref<1600xi32, #tpu.memory_space<vmem>>, %arg13: memref<1600x16xf32, #tpu.memory_space<vmem>>, %arg14: memref<128xi32, #tpu.memory_space<vmem>>, %arg15: memref<128x16xf32, #tpu.memory_space<vmem>>, %arg16: memref<!tpu.dma_semaphore, #tpu.memory_space<semaphore_mem>>) attributes {dimension_semantics = [#tpu.dimension_semantics<core_parallel>, #tpu.dimension_semantics<subcore_parallel>], iteration_bounds = array<i64: 2, 16>, scalar_prefetch = 0 : i64, scratch_operands = 5 : i64, tpu.core_type = #tpu.core_type<sc_vector_subcore>, window_params = [{transform_indices = #map}, {transform_indices = #map}, {transform_indices = #map1}, {transform_indices = #map1}, {transform_indices = #map1}, {transform_indices = #map1}, {transform_indices = #map1}, {transform_indices = #map1}, {transform_indices = #map1}, {transform_indices = #map1}]} {
    %mul3A = arith.constant 2 : i32
    %mul3A_0 = arith.muli %arg1, %mul3A : i32
    %add3A = arith.addi %mul3A_0, %arg0 : i32
    %mul3A_1 = arith.constant 6400 : i32
    %mul3A_2 = arith.muli %add3A, %mul3A_1 : i32
    %add3A_3 = arith.constant 0 : i32
    %add3A_4 = arith.addi %mul3A_2, %add3A_3 : i32
    "tpu.region"() ({
      %run_scoped3A = tpu.sem_alloc : memref<!tpu.dma_semaphore, #tpu.memory_space<semaphore_mem>>
      %dma_start3A_79 = tpu.memref_slice %arg2[%add3A_4] : memref<204800xi32, #tpu.memory_space<hbm>> -> memref<1600xi32, #tpu.memory_space<hbm>>
      %dma_start3A_80 = tpu.memref_slice %arg2[%add3A_4] : memref<204800xi32, #tpu.memory_space<hbm>> -> memref<1600xi32, #tpu.memory_space<hbm>>
      tpu.enqueue_dma source(%dma_start3A_80 : memref<1600xi32, #tpu.memory_space<hbm>>) target(%arg12 : memref<1600xi32, #tpu.memory_space<vmem>>) target_semaphore(%run_scoped3A : memref<!tpu.dma_semaphore, #tpu.memory_space<semaphore_mem>>)
      %dma_wait3A_81 = tpu.memref_slice %arg2[%add3A_4] : memref<204800xi32, #tpu.memory_space<hbm>> -> memref<1600xi32, #tpu.memory_space<hbm>>
      %dma_wait3A_82 = tpu.memref_slice %arg2[%add3A_4] : memref<204800xi32, #tpu.memory_space<hbm>> -> memref<1600xi32, #tpu.memory_space<hbm>>
      tpu.wait_dma2 semaphore(%run_scoped3A : memref<!tpu.dma_semaphore, #tpu.memory_space<semaphore_mem>>) src(%dma_wait3A_82 : memref<1600xi32, #tpu.memory_space<hbm>>) dst(%arg12 : memref<1600xi32, #tpu.memory_space<vmem>>)
      tpu.yield
    }) : () -> ()
    %dma_start3A = arith.constant 0 : i32
    %dma_start3A_5 = arith.constant 0 : i32
    %dma_start3A_6 = tpu.memref_slice %arg4[%dma_start3A, %dma_start3A_5] : memref<1007616x16xf32, #tpu.memory_space<hbm>> -> memref<1007616x16xf32, #tpu.memory_space<hbm>>
    tpu.enqueue_indirect_dma source(%dma_start3A_6 : memref<1007616x16xf32, #tpu.memory_space<hbm>>) target(%arg13 : memref<1600x16xf32, #tpu.memory_space<vmem>>) offsets(%arg12 : memref<1600xi32, #tpu.memory_space<vmem>>) semaphore(%arg16 : memref<!tpu.dma_semaphore, #tpu.memory_space<semaphore_mem>>)
    %dma_wait3A = arith.constant 0 : i32
    %dma_wait3A_7 = arith.constant 0 : i32
    %dma_wait3A_8 = tpu.memref_slice %arg4[%dma_wait3A, %dma_wait3A_7] : memref<1007616x16xf32, #tpu.memory_space<hbm>> -> memref<1007616x16xf32, #tpu.memory_space<hbm>>
    tpu.wait_indirect_dma semaphore(%arg16 : memref<!tpu.dma_semaphore, #tpu.memory_space<semaphore_mem>>) src(%dma_wait3A_8 : memref<1007616x16xf32, #tpu.memory_space<hbm>>) dst(%arg13 : memref<1600x16xf32, #tpu.memory_space<vmem>>)
    "tpu.region"() ({
      %run_scoped3A = tpu.sem_alloc : memref<!tpu.dma_semaphore, #tpu.memory_space<semaphore_mem>>
      %dma_start3A_79 = arith.constant 0 : i32
      %dma_start3A_80 = tpu.memref_slice %arg8[%add3A_4, %dma_start3A_79] : memref<204800x16xf32, #tpu.memory_space<hbm>> -> memref<1600x16xf32, #tpu.memory_space<hbm>>
      %dma_start3A_81 = arith.constant 0 : i32
      %dma_start3A_82 = tpu.memref_slice %arg8[%add3A_4, %dma_start3A_81] : memref<204800x16xf32, #tpu.memory_space<hbm>> -> memref<1600x16xf32, #tpu.memory_space<hbm>>
      tpu.enqueue_dma source(%arg13 : memref<1600x16xf32, #tpu.memory_space<vmem>>) target(%dma_start3A_82 : memref<1600x16xf32, #tpu.memory_space<hbm>>) target_semaphore(%run_scoped3A : memref<!tpu.dma_semaphore, #tpu.memory_space<semaphore_mem>>)
      %dma_wait3A_83 = arith.constant 0 : i32
      %dma_wait3A_84 = tpu.memref_slice %arg8[%add3A_4, %dma_wait3A_83] : memref<204800x16xf32, #tpu.memory_space<hbm>> -> memref<1600x16xf32, #tpu.memory_space<hbm>>
      %dma_wait3A_85 = arith.constant 0 : i32
      %dma_wait3A_86 = tpu.memref_slice %arg8[%add3A_4, %dma_wait3A_85] : memref<204800x16xf32, #tpu.memory_space<hbm>> -> memref<1600x16xf32, #tpu.memory_space<hbm>>
      tpu.wait_dma2 semaphore(%run_scoped3A : memref<!tpu.dma_semaphore, #tpu.memory_space<semaphore_mem>>) src(%arg13 : memref<1600x16xf32, #tpu.memory_space<vmem>>) dst(%dma_wait3A_86 : memref<1600x16xf32, #tpu.memory_space<hbm>>)
      tpu.yield
    }) : () -> ()
    %add3A_9 = arith.constant 1600 : i32
    %add3A_10 = arith.addi %mul3A_2, %add3A_9 : i32
    "tpu.region"() ({
      %run_scoped3A = tpu.sem_alloc : memref<!tpu.dma_semaphore, #tpu.memory_space<semaphore_mem>>
      %dma_start3A_79 = tpu.memref_slice %arg2[%add3A_10] : memref<204800xi32, #tpu.memory_space<hbm>> -> memref<1600xi32, #tpu.memory_space<hbm>>
      %dma_start3A_80 = tpu.memref_slice %arg2[%add3A_10] : memref<204800xi32, #tpu.memory_space<hbm>> -> memref<1600xi32, #tpu.memory_space<hbm>>
      tpu.enqueue_dma source(%dma_start3A_80 : memref<1600xi32, #tpu.memory_space<hbm>>) target(%arg12 : memref<1600xi32, #tpu.memory_space<vmem>>) target_semaphore(%run_scoped3A : memref<!tpu.dma_semaphore, #tpu.memory_space<semaphore_mem>>)
      %dma_wait3A_81 = tpu.memref_slice %arg2[%add3A_10] : memref<204800xi32, #tpu.memory_space<hbm>> -> memref<1600xi32, #tpu.memory_space<hbm>>
      %dma_wait3A_82 = tpu.memref_slice %arg2[%add3A_10] : memref<204800xi32, #tpu.memory_space<hbm>> -> memref<1600xi32, #tpu.memory_space<hbm>>
      tpu.wait_dma2 semaphore(%run_scoped3A : memref<!tpu.dma_semaphore, #tpu.memory_space<semaphore_mem>>) src(%dma_wait3A_82 : memref<1600xi32, #tpu.memory_space<hbm>>) dst(%arg12 : memref<1600xi32, #tpu.memory_space<vmem>>)
      tpu.yield
    }) : () -> ()
    %dma_start3A_11 = arith.constant 0 : i32
    %dma_start3A_12 = arith.constant 0 : i32
    %dma_start3A_13 = tpu.memref_slice %arg4[%dma_start3A_11, %dma_start3A_12] : memref<1007616x16xf32, #tpu.memory_space<hbm>> -> memref<1007616x16xf32, #tpu.memory_space<hbm>>
    tpu.enqueue_indirect_dma source(%dma_start3A_13 : memref<1007616x16xf32, #tpu.memory_space<hbm>>) target(%arg13 : memref<1600x16xf32, #tpu.memory_space<vmem>>) offsets(%arg12 : memref<1600xi32, #tpu.memory_space<vmem>>) semaphore(%arg16 : memref<!tpu.dma_semaphore, #tpu.memory_space<semaphore_mem>>)
    %dma_wait3A_14 = arith.constant 0 : i32
    %dma_wait3A_15 = arith.constant 0 : i32
    %dma_wait3A_16 = tpu.memref_slice %arg4[%dma_wait3A_14, %dma_wait3A_15] : memref<1007616x16xf32, #tpu.memory_space<hbm>> -> memref<1007616x16xf32, #tpu.memory_space<hbm>>
    tpu.wait_indirect_dma semaphore(%arg16 : memref<!tpu.dma_semaphore, #tpu.memory_space<semaphore_mem>>) src(%dma_wait3A_16 : memref<1007616x16xf32, #tpu.memory_space<hbm>>) dst(%arg13 : memref<1600x16xf32, #tpu.memory_space<vmem>>)
    "tpu.region"() ({
      %run_scoped3A = tpu.sem_alloc : memref<!tpu.dma_semaphore, #tpu.memory_space<semaphore_mem>>
      %dma_start3A_79 = arith.constant 0 : i32
      %dma_start3A_80 = tpu.memref_slice %arg8[%add3A_10, %dma_start3A_79] : memref<204800x16xf32, #tpu.memory_space<hbm>> -> memref<1600x16xf32, #tpu.memory_space<hbm>>
      %dma_start3A_81 = arith.constant 0 : i32
      %dma_start3A_82 = tpu.memref_slice %arg8[%add3A_10, %dma_start3A_81] : memref<204800x16xf32, #tpu.memory_space<hbm>> -> memref<1600x16xf32, #tpu.memory_space<hbm>>
      tpu.enqueue_dma source(%arg13 : memref<1600x16xf32, #tpu.memory_space<vmem>>) target(%dma_start3A_82 : memref<1600x16xf32, #tpu.memory_space<hbm>>) target_semaphore(%run_scoped3A : memref<!tpu.dma_semaphore, #tpu.memory_space<semaphore_mem>>)
      %dma_wait3A_83 = arith.constant 0 : i32
      %dma_wait3A_84 = tpu.memref_slice %arg8[%add3A_10, %dma_wait3A_83] : memref<204800x16xf32, #tpu.memory_space<hbm>> -> memref<1600x16xf32, #tpu.memory_space<hbm>>
      %dma_wait3A_85 = arith.constant 0 : i32
      %dma_wait3A_86 = tpu.memref_slice %arg8[%add3A_10, %dma_wait3A_85] : memref<204800x16xf32, #tpu.memory_space<hbm>> -> memref<1600x16xf32, #tpu.memory_space<hbm>>
      tpu.wait_dma2 semaphore(%run_scoped3A : memref<!tpu.dma_semaphore, #tpu.memory_space<semaphore_mem>>) src(%arg13 : memref<1600x16xf32, #tpu.memory_space<vmem>>) dst(%dma_wait3A_86 : memref<1600x16xf32, #tpu.memory_space<hbm>>)
      tpu.yield
    }) : () -> ()
    %add3A_17 = arith.constant 3200 : i32
    %add3A_18 = arith.addi %mul3A_2, %add3A_17 : i32
    "tpu.region"() ({
      %run_scoped3A = tpu.sem_alloc : memref<!tpu.dma_semaphore, #tpu.memory_space<semaphore_mem>>
      %dma_start3A_79 = tpu.memref_slice %arg2[%add3A_18] : memref<204800xi32, #tpu.memory_space<hbm>> -> memref<1600xi32, #tpu.memory_space<hbm>>
      %dma_start3A_80 = tpu.memref_slice %arg2[%add3A_18] : memref<204800xi32, #tpu.memory_space<hbm>> -> memref<1600xi32, #tpu.memory_space<hbm>>
      tpu.enqueue_dma source(%dma_start3A_80 : memref<1600xi32, #tpu.memory_space<hbm>>) target(%arg12 : memref<1600xi32, #tpu.memory_space<vmem>>) target_semaphore(%run_scoped3A : memref<!tpu.dma_semaphore, #tpu.memory_space<semaphore_mem>>)
      %dma_wait3A_81 = tpu.memref_slice %arg2[%add3A_18] : memref<204800xi32, #tpu.memory_space<hbm>> -> memref<1600xi32, #tpu.memory_space<hbm>>
      %dma_wait3A_82 = tpu.memref_slice %arg2[%add3A_18] : memref<204800xi32, #tpu.memory_space<hbm>> -> memref<1600xi32, #tpu.memory_space<hbm>>
      tpu.wait_dma2 semaphore(%run_scoped3A : memref<!tpu.dma_semaphore, #tpu.memory_space<semaphore_mem>>) src(%dma_wait3A_82 : memref<1600xi32, #tpu.memory_space<hbm>>) dst(%arg12 : memref<1600xi32, #tpu.memory_space<vmem>>)
      tpu.yield
    }) : () -> ()
    %dma_start3A_19 = arith.constant 0 : i32
    %dma_start3A_20 = arith.constant 0 : i32
    %dma_start3A_21 = tpu.memref_slice %arg4[%dma_start3A_19, %dma_start3A_20] : memref<1007616x16xf32, #tpu.memory_space<hbm>> -> memref<1007616x16xf32, #tpu.memory_space<hbm>>
    tpu.enqueue_indirect_dma source(%dma_start3A_21 : memref<1007616x16xf32, #tpu.memory_space<hbm>>) target(%arg13 : memref<1600x16xf32, #tpu.memory_space<vmem>>) offsets(%arg12 : memref<1600xi32, #tpu.memory_space<vmem>>) semaphore(%arg16 : memref<!tpu.dma_semaphore, #tpu.memory_space<semaphore_mem>>)
    %dma_wait3A_22 = arith.constant 0 : i32
    %dma_wait3A_23 = arith.constant 0 : i32
    %dma_wait3A_24 = tpu.memref_slice %arg4[%dma_wait3A_22, %dma_wait3A_23] : memref<1007616x16xf32, #tpu.memory_space<hbm>> -> memref<1007616x16xf32, #tpu.memory_space<hbm>>
    tpu.wait_indirect_dma semaphore(%arg16 : memref<!tpu.dma_semaphore, #tpu.memory_space<semaphore_mem>>) src(%dma_wait3A_24 : memref<1007616x16xf32, #tpu.memory_space<hbm>>) dst(%arg13 : memref<1600x16xf32, #tpu.memory_space<vmem>>)
    "tpu.region"() ({
      %run_scoped3A = tpu.sem_alloc : memref<!tpu.dma_semaphore, #tpu.memory_space<semaphore_mem>>
      %dma_start3A_79 = arith.constant 0 : i32
      %dma_start3A_80 = tpu.memref_slice %arg8[%add3A_18, %dma_start3A_79] : memref<204800x16xf32, #tpu.memory_space<hbm>> -> memref<1600x16xf32, #tpu.memory_space<hbm>>
      %dma_start3A_81 = arith.constant 0 : i32
      %dma_start3A_82 = tpu.memref_slice %arg8[%add3A_18, %dma_start3A_81] : memref<204800x16xf32, #tpu.memory_space<hbm>> -> memref<1600x16xf32, #tpu.memory_space<hbm>>
      tpu.enqueue_dma source(%arg13 : memref<1600x16xf32, #tpu.memory_space<vmem>>) target(%dma_start3A_82 : memref<1600x16xf32, #tpu.memory_space<hbm>>) target_semaphore(%run_scoped3A : memref<!tpu.dma_semaphore, #tpu.memory_space<semaphore_mem>>)
      %dma_wait3A_83 = arith.constant 0 : i32
      %dma_wait3A_84 = tpu.memref_slice %arg8[%add3A_18, %dma_wait3A_83] : memref<204800x16xf32, #tpu.memory_space<hbm>> -> memref<1600x16xf32, #tpu.memory_space<hbm>>
      %dma_wait3A_85 = arith.constant 0 : i32
      %dma_wait3A_86 = tpu.memref_slice %arg8[%add3A_18, %dma_wait3A_85] : memref<204800x16xf32, #tpu.memory_space<hbm>> -> memref<1600x16xf32, #tpu.memory_space<hbm>>
      tpu.wait_dma2 semaphore(%run_scoped3A : memref<!tpu.dma_semaphore, #tpu.memory_space<semaphore_mem>>) src(%arg13 : memref<1600x16xf32, #tpu.memory_space<vmem>>) dst(%dma_wait3A_86 : memref<1600x16xf32, #tpu.memory_space<hbm>>)
      tpu.yield
    }) : () -> ()
    %add3A_25 = arith.constant 4800 : i32
    %add3A_26 = arith.addi %mul3A_2, %add3A_25 : i32
    "tpu.region"() ({
      %run_scoped3A = tpu.sem_alloc : memref<!tpu.dma_semaphore, #tpu.memory_space<semaphore_mem>>
      %dma_start3A_79 = tpu.memref_slice %arg2[%add3A_26] : memref<204800xi32, #tpu.memory_space<hbm>> -> memref<1600xi32, #tpu.memory_space<hbm>>
      %dma_start3A_80 = tpu.memref_slice %arg2[%add3A_26] : memref<204800xi32, #tpu.memory_space<hbm>> -> memref<1600xi32, #tpu.memory_space<hbm>>
      tpu.enqueue_dma source(%dma_start3A_80 : memref<1600xi32, #tpu.memory_space<hbm>>) target(%arg12 : memref<1600xi32, #tpu.memory_space<vmem>>) target_semaphore(%run_scoped3A : memref<!tpu.dma_semaphore, #tpu.memory_space<semaphore_mem>>)
      %dma_wait3A_81 = tpu.memref_slice %arg2[%add3A_26] : memref<204800xi32, #tpu.memory_space<hbm>> -> memref<1600xi32, #tpu.memory_space<hbm>>
      %dma_wait3A_82 = tpu.memref_slice %arg2[%add3A_26] : memref<204800xi32, #tpu.memory_space<hbm>> -> memref<1600xi32, #tpu.memory_space<hbm>>
      tpu.wait_dma2 semaphore(%run_scoped3A : memref<!tpu.dma_semaphore, #tpu.memory_space<semaphore_mem>>) src(%dma_wait3A_82 : memref<1600xi32, #tpu.memory_space<hbm>>) dst(%arg12 : memref<1600xi32, #tpu.memory_space<vmem>>)
      tpu.yield
    }) : () -> ()
    %dma_start3A_27 = arith.constant 0 : i32
    %dma_start3A_28 = arith.constant 0 : i32
    %dma_start3A_29 = tpu.memref_slice %arg4[%dma_start3A_27, %dma_start3A_28] : memref<1007616x16xf32, #tpu.memory_space<hbm>> -> memref<1007616x16xf32, #tpu.memory_space<hbm>>
    tpu.enqueue_indirect_dma source(%dma_start3A_29 : memref<1007616x16xf32, #tpu.memory_space<hbm>>) target(%arg13 : memref<1600x16xf32, #tpu.memory_space<vmem>>) offsets(%arg12 : memref<1600xi32, #tpu.memory_space<vmem>>) semaphore(%arg16 : memref<!tpu.dma_semaphore, #tpu.memory_space<semaphore_mem>>)
    %dma_wait3A_30 = arith.constant 0 : i32
    %dma_wait3A_31 = arith.constant 0 : i32
    %dma_wait3A_32 = tpu.memref_slice %arg4[%dma_wait3A_30, %dma_wait3A_31] : memref<1007616x16xf32, #tpu.memory_space<hbm>> -> memref<1007616x16xf32, #tpu.memory_space<hbm>>
    tpu.wait_indirect_dma semaphore(%arg16 : memref<!tpu.dma_semaphore, #tpu.memory_space<semaphore_mem>>) src(%dma_wait3A_32 : memref<1007616x16xf32, #tpu.memory_space<hbm>>) dst(%arg13 : memref<1600x16xf32, #tpu.memory_space<vmem>>)
    "tpu.region"() ({
      %run_scoped3A = tpu.sem_alloc : memref<!tpu.dma_semaphore, #tpu.memory_space<semaphore_mem>>
      %dma_start3A_79 = arith.constant 0 : i32
      %dma_start3A_80 = tpu.memref_slice %arg8[%add3A_26, %dma_start3A_79] : memref<204800x16xf32, #tpu.memory_space<hbm>> -> memref<1600x16xf32, #tpu.memory_space<hbm>>
      %dma_start3A_81 = arith.constant 0 : i32
      %dma_start3A_82 = tpu.memref_slice %arg8[%add3A_26, %dma_start3A_81] : memref<204800x16xf32, #tpu.memory_space<hbm>> -> memref<1600x16xf32, #tpu.memory_space<hbm>>
      tpu.enqueue_dma source(%arg13 : memref<1600x16xf32, #tpu.memory_space<vmem>>) target(%dma_start3A_82 : memref<1600x16xf32, #tpu.memory_space<hbm>>) target_semaphore(%run_scoped3A : memref<!tpu.dma_semaphore, #tpu.memory_space<semaphore_mem>>)
      %dma_wait3A_83 = arith.constant 0 : i32
      %dma_wait3A_84 = tpu.memref_slice %arg8[%add3A_26, %dma_wait3A_83] : memref<204800x16xf32, #tpu.memory_space<hbm>> -> memref<1600x16xf32, #tpu.memory_space<hbm>>
      %dma_wait3A_85 = arith.constant 0 : i32
      %dma_wait3A_86 = tpu.memref_slice %arg8[%add3A_26, %dma_wait3A_85] : memref<204800x16xf32, #tpu.memory_space<hbm>> -> memref<1600x16xf32, #tpu.memory_space<hbm>>
      tpu.wait_dma2 semaphore(%run_scoped3A : memref<!tpu.dma_semaphore, #tpu.memory_space<semaphore_mem>>) src(%arg13 : memref<1600x16xf32, #tpu.memory_space<vmem>>) dst(%dma_wait3A_86 : memref<1600x16xf32, #tpu.memory_space<hbm>>)
      tpu.yield
    }) : () -> ()
    %add3A_33 = arith.constant 0 : i32
    %add3A_34 = arith.addi %mul3A_2, %add3A_33 : i32
    "tpu.region"() ({
      %run_scoped3A = tpu.sem_alloc : memref<!tpu.dma_semaphore, #tpu.memory_space<semaphore_mem>>
      %dma_start3A_79 = tpu.memref_slice %arg2[%add3A_34] : memref<204800xi32, #tpu.memory_space<hbm>> -> memref<1600xi32, #tpu.memory_space<hbm>>
      %dma_start3A_80 = tpu.memref_slice %arg2[%add3A_34] : memref<204800xi32, #tpu.memory_space<hbm>> -> memref<1600xi32, #tpu.memory_space<hbm>>
      tpu.enqueue_dma source(%dma_start3A_80 : memref<1600xi32, #tpu.memory_space<hbm>>) target(%arg12 : memref<1600xi32, #tpu.memory_space<vmem>>) target_semaphore(%run_scoped3A : memref<!tpu.dma_semaphore, #tpu.memory_space<semaphore_mem>>)
      %dma_wait3A_81 = tpu.memref_slice %arg2[%add3A_34] : memref<204800xi32, #tpu.memory_space<hbm>> -> memref<1600xi32, #tpu.memory_space<hbm>>
      %dma_wait3A_82 = tpu.memref_slice %arg2[%add3A_34] : memref<204800xi32, #tpu.memory_space<hbm>> -> memref<1600xi32, #tpu.memory_space<hbm>>
      tpu.wait_dma2 semaphore(%run_scoped3A : memref<!tpu.dma_semaphore, #tpu.memory_space<semaphore_mem>>) src(%dma_wait3A_82 : memref<1600xi32, #tpu.memory_space<hbm>>) dst(%arg12 : memref<1600xi32, #tpu.memory_space<vmem>>)
      tpu.yield
    }) : () -> ()
    %dma_start3A_35 = arith.constant 0 : i32
    %dma_start3A_36 = arith.constant 0 : i32
    %dma_start3A_37 = tpu.memref_slice %arg5[%dma_start3A_35, %dma_start3A_36] : memref<1007616x16xf32, #tpu.memory_space<hbm>> -> memref<1007616x16xf32, #tpu.memory_space<hbm>>
    tpu.enqueue_indirect_dma source(%dma_start3A_37 : memref<1007616x16xf32, #tpu.memory_space<hbm>>) target(%arg13 : memref<1600x16xf32, #tpu.memory_space<vmem>>) offsets(%arg12 : memref<1600xi32, #tpu.memory_space<vmem>>) semaphore(%arg16 : memref<!tpu.dma_semaphore, #tpu.memory_space<semaphore_mem>>)
    %dma_wait3A_38 = arith.constant 0 : i32
    %dma_wait3A_39 = arith.constant 0 : i32
    %dma_wait3A_40 = tpu.memref_slice %arg5[%dma_wait3A_38, %dma_wait3A_39] : memref<1007616x16xf32, #tpu.memory_space<hbm>> -> memref<1007616x16xf32, #tpu.memory_space<hbm>>
    tpu.wait_indirect_dma semaphore(%arg16 : memref<!tpu.dma_semaphore, #tpu.memory_space<semaphore_mem>>) src(%dma_wait3A_40 : memref<1007616x16xf32, #tpu.memory_space<hbm>>) dst(%arg13 : memref<1600x16xf32, #tpu.memory_space<vmem>>)
    "tpu.region"() ({
      %run_scoped3A = tpu.sem_alloc : memref<!tpu.dma_semaphore, #tpu.memory_space<semaphore_mem>>
      %dma_start3A_79 = arith.constant 0 : i32
      %dma_start3A_80 = tpu.memref_slice %arg9[%add3A_34, %dma_start3A_79] : memref<204800x16xf32, #tpu.memory_space<hbm>> -> memref<1600x16xf32, #tpu.memory_space<hbm>>
      %dma_start3A_81 = arith.constant 0 : i32
      %dma_start3A_82 = tpu.memref_slice %arg9[%add3A_34, %dma_start3A_81] : memref<204800x16xf32, #tpu.memory_space<hbm>> -> memref<1600x16xf32, #tpu.memory_space<hbm>>
      tpu.enqueue_dma source(%arg13 : memref<1600x16xf32, #tpu.memory_space<vmem>>) target(%dma_start3A_82 : memref<1600x16xf32, #tpu.memory_space<hbm>>) target_semaphore(%run_scoped3A : memref<!tpu.dma_semaphore, #tpu.memory_space<semaphore_mem>>)
      %dma_wait3A_83 = arith.constant 0 : i32
      %dma_wait3A_84 = tpu.memref_slice %arg9[%add3A_34, %dma_wait3A_83] : memref<204800x16xf32, #tpu.memory_space<hbm>> -> memref<1600x16xf32, #tpu.memory_space<hbm>>
      %dma_wait3A_85 = arith.constant 0 : i32
      %dma_wait3A_86 = tpu.memref_slice %arg9[%add3A_34, %dma_wait3A_85] : memref<204800x16xf32, #tpu.memory_space<hbm>> -> memref<1600x16xf32, #tpu.memory_space<hbm>>
      tpu.wait_dma2 semaphore(%run_scoped3A : memref<!tpu.dma_semaphore, #tpu.memory_space<semaphore_mem>>) src(%arg13 : memref<1600x16xf32, #tpu.memory_space<vmem>>) dst(%dma_wait3A_86 : memref<1600x16xf32, #tpu.memory_space<hbm>>)
      tpu.yield
    }) : () -> ()
    %add3A_41 = arith.constant 1600 : i32
    %add3A_42 = arith.addi %mul3A_2, %add3A_41 : i32
    "tpu.region"() ({
      %run_scoped3A = tpu.sem_alloc : memref<!tpu.dma_semaphore, #tpu.memory_space<semaphore_mem>>
      %dma_start3A_79 = tpu.memref_slice %arg2[%add3A_42] : memref<204800xi32, #tpu.memory_space<hbm>> -> memref<1600xi32, #tpu.memory_space<hbm>>
      %dma_start3A_80 = tpu.memref_slice %arg2[%add3A_42] : memref<204800xi32, #tpu.memory_space<hbm>> -> memref<1600xi32, #tpu.memory_space<hbm>>
      tpu.enqueue_dma source(%dma_start3A_80 : memref<1600xi32, #tpu.memory_space<hbm>>) target(%arg12 : memref<1600xi32, #tpu.memory_space<vmem>>) target_semaphore(%run_scoped3A : memref<!tpu.dma_semaphore, #tpu.memory_space<semaphore_mem>>)
      %dma_wait3A_81 = tpu.memref_slice %arg2[%add3A_42] : memref<204800xi32, #tpu.memory_space<hbm>> -> memref<1600xi32, #tpu.memory_space<hbm>>
      %dma_wait3A_82 = tpu.memref_slice %arg2[%add3A_42] : memref<204800xi32, #tpu.memory_space<hbm>> -> memref<1600xi32, #tpu.memory_space<hbm>>
      tpu.wait_dma2 semaphore(%run_scoped3A : memref<!tpu.dma_semaphore, #tpu.memory_space<semaphore_mem>>) src(%dma_wait3A_82 : memref<1600xi32, #tpu.memory_space<hbm>>) dst(%arg12 : memref<1600xi32, #tpu.memory_space<vmem>>)
      tpu.yield
    }) : () -> ()
    %dma_start3A_43 = arith.constant 0 : i32
    %dma_start3A_44 = arith.constant 0 : i32
    %dma_start3A_45 = tpu.memref_slice %arg5[%dma_start3A_43, %dma_start3A_44] : memref<1007616x16xf32, #tpu.memory_space<hbm>> -> memref<1007616x16xf32, #tpu.memory_space<hbm>>
    tpu.enqueue_indirect_dma source(%dma_start3A_45 : memref<1007616x16xf32, #tpu.memory_space<hbm>>) target(%arg13 : memref<1600x16xf32, #tpu.memory_space<vmem>>) offsets(%arg12 : memref<1600xi32, #tpu.memory_space<vmem>>) semaphore(%arg16 : memref<!tpu.dma_semaphore, #tpu.memory_space<semaphore_mem>>)
    %dma_wait3A_46 = arith.constant 0 : i32
    %dma_wait3A_47 = arith.constant 0 : i32
    %dma_wait3A_48 = tpu.memref_slice %arg5[%dma_wait3A_46, %dma_wait3A_47] : memref<1007616x16xf32, #tpu.memory_space<hbm>> -> memref<1007616x16xf32, #tpu.memory_space<hbm>>
    tpu.wait_indirect_dma semaphore(%arg16 : memref<!tpu.dma_semaphore, #tpu.memory_space<semaphore_mem>>) src(%dma_wait3A_48 : memref<1007616x16xf32, #tpu.memory_space<hbm>>) dst(%arg13 : memref<1600x16xf32, #tpu.memory_space<vmem>>)
    "tpu.region"() ({
      %run_scoped3A = tpu.sem_alloc : memref<!tpu.dma_semaphore, #tpu.memory_space<semaphore_mem>>
      %dma_start3A_79 = arith.constant 0 : i32
      %dma_start3A_80 = tpu.memref_slice %arg9[%add3A_42, %dma_start3A_79] : memref<204800x16xf32, #tpu.memory_space<hbm>> -> memref<1600x16xf32, #tpu.memory_space<hbm>>
      %dma_start3A_81 = arith.constant 0 : i32
      %dma_start3A_82 = tpu.memref_slice %arg9[%add3A_42, %dma_start3A_81] : memref<204800x16xf32, #tpu.memory_space<hbm>> -> memref<1600x16xf32, #tpu.memory_space<hbm>>
      tpu.enqueue_dma source(%arg13 : memref<1600x16xf32, #tpu.memory_space<vmem>>) target(%dma_start3A_82 : memref<1600x16xf32, #tpu.memory_space<hbm>>) target_semaphore(%run_scoped3A : memref<!tpu.dma_semaphore, #tpu.memory_space<semaphore_mem>>)
      %dma_wait3A_83 = arith.constant 0 : i32
      %dma_wait3A_84 = tpu.memref_slice %arg9[%add3A_42, %dma_wait3A_83] : memref<204800x16xf32, #tpu.memory_space<hbm>> -> memref<1600x16xf32, #tpu.memory_space<hbm>>
      %dma_wait3A_85 = arith.constant 0 : i32
      %dma_wait3A_86 = tpu.memref_slice %arg9[%add3A_42, %dma_wait3A_85] : memref<204800x16xf32, #tpu.memory_space<hbm>> -> memref<1600x16xf32, #tpu.memory_space<hbm>>
      tpu.wait_dma2 semaphore(%run_scoped3A : memref<!tpu.dma_semaphore, #tpu.memory_space<semaphore_mem>>) src(%arg13 : memref<1600x16xf32, #tpu.memory_space<vmem>>) dst(%dma_wait3A_86 : memref<1600x16xf32, #tpu.memory_space<hbm>>)
      tpu.yield
    }) : () -> ()
    %add3A_49 = arith.constant 3200 : i32
    %add3A_50 = arith.addi %mul3A_2, %add3A_49 : i32
    "tpu.region"() ({
      %run_scoped3A = tpu.sem_alloc : memref<!tpu.dma_semaphore, #tpu.memory_space<semaphore_mem>>
      %dma_start3A_79 = tpu.memref_slice %arg2[%add3A_50] : memref<204800xi32, #tpu.memory_space<hbm>> -> memref<1600xi32, #tpu.memory_space<hbm>>
      %dma_start3A_80 = tpu.memref_slice %arg2[%add3A_50] : memref<204800xi32, #tpu.memory_space<hbm>> -> memref<1600xi32, #tpu.memory_space<hbm>>
      tpu.enqueue_dma source(%dma_start3A_80 : memref<1600xi32, #tpu.memory_space<hbm>>) target(%arg12 : memref<1600xi32, #tpu.memory_space<vmem>>) target_semaphore(%run_scoped3A : memref<!tpu.dma_semaphore, #tpu.memory_space<semaphore_mem>>)
      %dma_wait3A_81 = tpu.memref_slice %arg2[%add3A_50] : memref<204800xi32, #tpu.memory_space<hbm>> -> memref<1600xi32, #tpu.memory_space<hbm>>
      %dma_wait3A_82 = tpu.memref_slice %arg2[%add3A_50] : memref<204800xi32, #tpu.memory_space<hbm>> -> memref<1600xi32, #tpu.memory_space<hbm>>
      tpu.wait_dma2 semaphore(%run_scoped3A : memref<!tpu.dma_semaphore, #tpu.memory_space<semaphore_mem>>) src(%dma_wait3A_82 : memref<1600xi32, #tpu.memory_space<hbm>>) dst(%arg12 : memref<1600xi32, #tpu.memory_space<vmem>>)
      tpu.yield
    }) : () -> ()
    %dma_start3A_51 = arith.constant 0 : i32
    %dma_start3A_52 = arith.constant 0 : i32
    %dma_start3A_53 = tpu.memref_slice %arg5[%dma_start3A_51, %dma_start3A_52] : memref<1007616x16xf32, #tpu.memory_space<hbm>> -> memref<1007616x16xf32, #tpu.memory_space<hbm>>
    tpu.enqueue_indirect_dma source(%dma_start3A_53 : memref<1007616x16xf32, #tpu.memory_space<hbm>>) target(%arg13 : memref<1600x16xf32, #tpu.memory_space<vmem>>) offsets(%arg12 : memref<1600xi32, #tpu.memory_space<vmem>>) semaphore(%arg16 : memref<!tpu.dma_semaphore, #tpu.memory_space<semaphore_mem>>)
    %dma_wait3A_54 = arith.constant 0 : i32
    %dma_wait3A_55 = arith.constant 0 : i32
    %dma_wait3A_56 = tpu.memref_slice %arg5[%dma_wait3A_54, %dma_wait3A_55] : memref<1007616x16xf32, #tpu.memory_space<hbm>> -> memref<1007616x16xf32, #tpu.memory_space<hbm>>
    tpu.wait_indirect_dma semaphore(%arg16 : memref<!tpu.dma_semaphore, #tpu.memory_space<semaphore_mem>>) src(%dma_wait3A_56 : memref<1007616x16xf32, #tpu.memory_space<hbm>>) dst(%arg13 : memref<1600x16xf32, #tpu.memory_space<vmem>>)
    "tpu.region"() ({
      %run_scoped3A = tpu.sem_alloc : memref<!tpu.dma_semaphore, #tpu.memory_space<semaphore_mem>>
      %dma_start3A_79 = arith.constant 0 : i32
      %dma_start3A_80 = tpu.memref_slice %arg9[%add3A_50, %dma_start3A_79] : memref<204800x16xf32, #tpu.memory_space<hbm>> -> memref<1600x16xf32, #tpu.memory_space<hbm>>
      %dma_start3A_81 = arith.constant 0 : i32
      %dma_start3A_82 = tpu.memref_slice %arg9[%add3A_50, %dma_start3A_81] : memref<204800x16xf32, #tpu.memory_space<hbm>> -> memref<1600x16xf32, #tpu.memory_space<hbm>>
      tpu.enqueue_dma source(%arg13 : memref<1600x16xf32, #tpu.memory_space<vmem>>) target(%dma_start3A_82 : memref<1600x16xf32, #tpu.memory_space<hbm>>) target_semaphore(%run_scoped3A : memref<!tpu.dma_semaphore, #tpu.memory_space<semaphore_mem>>)
      %dma_wait3A_83 = arith.constant 0 : i32
      %dma_wait3A_84 = tpu.memref_slice %arg9[%add3A_50, %dma_wait3A_83] : memref<204800x16xf32, #tpu.memory_space<hbm>> -> memref<1600x16xf32, #tpu.memory_space<hbm>>
      %dma_wait3A_85 = arith.constant 0 : i32
      %dma_wait3A_86 = tpu.memref_slice %arg9[%add3A_50, %dma_wait3A_85] : memref<204800x16xf32, #tpu.memory_space<hbm>> -> memref<1600x16xf32, #tpu.memory_space<hbm>>
      tpu.wait_dma2 semaphore(%run_scoped3A : memref<!tpu.dma_semaphore, #tpu.memory_space<semaphore_mem>>) src(%arg13 : memref<1600x16xf32, #tpu.memory_space<vmem>>) dst(%dma_wait3A_86 : memref<1600x16xf32, #tpu.memory_space<hbm>>)
      tpu.yield
    }) : () -> ()
    %add3A_57 = arith.constant 4800 : i32
    %add3A_58 = arith.addi %mul3A_2, %add3A_57 : i32
    "tpu.region"() ({
      %run_scoped3A = tpu.sem_alloc : memref<!tpu.dma_semaphore, #tpu.memory_space<semaphore_mem>>
      %dma_start3A_79 = tpu.memref_slice %arg2[%add3A_58] : memref<204800xi32, #tpu.memory_space<hbm>> -> memref<1600xi32, #tpu.memory_space<hbm>>
      %dma_start3A_80 = tpu.memref_slice %arg2[%add3A_58] : memref<204800xi32, #tpu.memory_space<hbm>> -> memref<1600xi32, #tpu.memory_space<hbm>>
      tpu.enqueue_dma source(%dma_start3A_80 : memref<1600xi32, #tpu.memory_space<hbm>>) target(%arg12 : memref<1600xi32, #tpu.memory_space<vmem>>) target_semaphore(%run_scoped3A : memref<!tpu.dma_semaphore, #tpu.memory_space<semaphore_mem>>)
      %dma_wait3A_81 = tpu.memref_slice %arg2[%add3A_58] : memref<204800xi32, #tpu.memory_space<hbm>> -> memref<1600xi32, #tpu.memory_space<hbm>>
      %dma_wait3A_82 = tpu.memref_slice %arg2[%add3A_58] : memref<204800xi32, #tpu.memory_space<hbm>> -> memref<1600xi32, #tpu.memory_space<hbm>>
      tpu.wait_dma2 semaphore(%run_scoped3A : memref<!tpu.dma_semaphore, #tpu.memory_space<semaphore_mem>>) src(%dma_wait3A_82 : memref<1600xi32, #tpu.memory_space<hbm>>) dst(%arg12 : memref<1600xi32, #tpu.memory_space<vmem>>)
      tpu.yield
    }) : () -> ()
    %dma_start3A_59 = arith.constant 0 : i32
    %dma_start3A_60 = arith.constant 0 : i32
    %dma_start3A_61 = tpu.memref_slice %arg5[%dma_start3A_59, %dma_start3A_60] : memref<1007616x16xf32, #tpu.memory_space<hbm>> -> memref<1007616x16xf32, #tpu.memory_space<hbm>>
    tpu.enqueue_indirect_dma source(%dma_start3A_61 : memref<1007616x16xf32, #tpu.memory_space<hbm>>) target(%arg13 : memref<1600x16xf32, #tpu.memory_space<vmem>>) offsets(%arg12 : memref<1600xi32, #tpu.memory_space<vmem>>) semaphore(%arg16 : memref<!tpu.dma_semaphore, #tpu.memory_space<semaphore_mem>>)
    %dma_wait3A_62 = arith.constant 0 : i32
    %dma_wait3A_63 = arith.constant 0 : i32
    %dma_wait3A_64 = tpu.memref_slice %arg5[%dma_wait3A_62, %dma_wait3A_63] : memref<1007616x16xf32, #tpu.memory_space<hbm>> -> memref<1007616x16xf32, #tpu.memory_space<hbm>>
    tpu.wait_indirect_dma semaphore(%arg16 : memref<!tpu.dma_semaphore, #tpu.memory_space<semaphore_mem>>) src(%dma_wait3A_64 : memref<1007616x16xf32, #tpu.memory_space<hbm>>) dst(%arg13 : memref<1600x16xf32, #tpu.memory_space<vmem>>)
    "tpu.region"() ({
      %run_scoped3A = tpu.sem_alloc : memref<!tpu.dma_semaphore, #tpu.memory_space<semaphore_mem>>
      %dma_start3A_79 = arith.constant 0 : i32
      %dma_start3A_80 = tpu.memref_slice %arg9[%add3A_58, %dma_start3A_79] : memref<204800x16xf32, #tpu.memory_space<hbm>> -> memref<1600x16xf32, #tpu.memory_space<hbm>>
      %dma_start3A_81 = arith.constant 0 : i32
      %dma_start3A_82 = tpu.memref_slice %arg9[%add3A_58, %dma_start3A_81] : memref<204800x16xf32, #tpu.memory_space<hbm>> -> memref<1600x16xf32, #tpu.memory_space<hbm>>
      tpu.enqueue_dma source(%arg13 : memref<1600x16xf32, #tpu.memory_space<vmem>>) target(%dma_start3A_82 : memref<1600x16xf32, #tpu.memory_space<hbm>>) target_semaphore(%run_scoped3A : memref<!tpu.dma_semaphore, #tpu.memory_space<semaphore_mem>>)
      %dma_wait3A_83 = arith.constant 0 : i32
      %dma_wait3A_84 = tpu.memref_slice %arg9[%add3A_58, %dma_wait3A_83] : memref<204800x16xf32, #tpu.memory_space<hbm>> -> memref<1600x16xf32, #tpu.memory_space<hbm>>
      %dma_wait3A_85 = arith.constant 0 : i32
      %dma_wait3A_86 = tpu.memref_slice %arg9[%add3A_58, %dma_wait3A_85] : memref<204800x16xf32, #tpu.memory_space<hbm>> -> memref<1600x16xf32, #tpu.memory_space<hbm>>
      tpu.wait_dma2 semaphore(%run_scoped3A : memref<!tpu.dma_semaphore, #tpu.memory_space<semaphore_mem>>) src(%arg13 : memref<1600x16xf32, #tpu.memory_space<vmem>>) dst(%dma_wait3A_86 : memref<1600x16xf32, #tpu.memory_space<hbm>>)
      tpu.yield
    }) : () -> ()
    %mul3A_65 = arith.constant 128 : i32
    %mul3A_66 = arith.muli %add3A, %mul3A_65 : i32
    "tpu.region"() ({
      %run_scoped3A = tpu.sem_alloc : memref<!tpu.dma_semaphore, #tpu.memory_space<semaphore_mem>>
      %dma_start3A_79 = tpu.memref_slice %arg3[%mul3A_66] : memref<4096xi32, #tpu.memory_space<hbm>> -> memref<128xi32, #tpu.memory_space<hbm>>
      %dma_start3A_80 = tpu.memref_slice %arg3[%mul3A_66] : memref<4096xi32, #tpu.memory_space<hbm>> -> memref<128xi32, #tpu.memory_space<hbm>>
      tpu.enqueue_dma source(%dma_start3A_80 : memref<128xi32, #tpu.memory_space<hbm>>) target(%arg14 : memref<128xi32, #tpu.memory_space<vmem>>) target_semaphore(%run_scoped3A : memref<!tpu.dma_semaphore, #tpu.memory_space<semaphore_mem>>)
      %dma_wait3A_81 = tpu.memref_slice %arg3[%mul3A_66] : memref<4096xi32, #tpu.memory_space<hbm>> -> memref<128xi32, #tpu.memory_space<hbm>>
      %dma_wait3A_82 = tpu.memref_slice %arg3[%mul3A_66] : memref<4096xi32, #tpu.memory_space<hbm>> -> memref<128xi32, #tpu.memory_space<hbm>>
      tpu.wait_dma2 semaphore(%run_scoped3A : memref<!tpu.dma_semaphore, #tpu.memory_space<semaphore_mem>>) src(%dma_wait3A_82 : memref<128xi32, #tpu.memory_space<hbm>>) dst(%arg14 : memref<128xi32, #tpu.memory_space<vmem>>)
      tpu.yield
    }) : () -> ()
    %dma_start3A_67 = arith.constant 0 : i32
    %dma_start3A_68 = arith.constant 0 : i32
    %dma_start3A_69 = tpu.memref_slice %arg6[%dma_start3A_67, %dma_start3A_68] : memref<1007616x16xf32, #tpu.memory_space<hbm>> -> memref<1007616x16xf32, #tpu.memory_space<hbm>>
    tpu.enqueue_indirect_dma source(%dma_start3A_69 : memref<1007616x16xf32, #tpu.memory_space<hbm>>) target(%arg15 : memref<128x16xf32, #tpu.memory_space<vmem>>) offsets(%arg14 : memref<128xi32, #tpu.memory_space<vmem>>) semaphore(%arg16 : memref<!tpu.dma_semaphore, #tpu.memory_space<semaphore_mem>>)
    %dma_wait3A_70 = arith.constant 0 : i32
    %dma_wait3A_71 = arith.constant 0 : i32
    %dma_wait3A_72 = tpu.memref_slice %arg6[%dma_wait3A_70, %dma_wait3A_71] : memref<1007616x16xf32, #tpu.memory_space<hbm>> -> memref<1007616x16xf32, #tpu.memory_space<hbm>>
    tpu.wait_indirect_dma semaphore(%arg16 : memref<!tpu.dma_semaphore, #tpu.memory_space<semaphore_mem>>) src(%dma_wait3A_72 : memref<1007616x16xf32, #tpu.memory_space<hbm>>) dst(%arg15 : memref<128x16xf32, #tpu.memory_space<vmem>>)
    "tpu.region"() ({
      %run_scoped3A = tpu.sem_alloc : memref<!tpu.dma_semaphore, #tpu.memory_space<semaphore_mem>>
      %dma_start3A_79 = arith.constant 0 : i32
      %dma_start3A_80 = tpu.memref_slice %arg10[%mul3A_66, %dma_start3A_79] : memref<4096x16xf32, #tpu.memory_space<hbm>> -> memref<128x16xf32, #tpu.memory_space<hbm>>
      %dma_start3A_81 = arith.constant 0 : i32
      %dma_start3A_82 = tpu.memref_slice %arg10[%mul3A_66, %dma_start3A_81] : memref<4096x16xf32, #tpu.memory_space<hbm>> -> memref<128x16xf32, #tpu.memory_space<hbm>>
      tpu.enqueue_dma source(%arg15 : memref<128x16xf32, #tpu.memory_space<vmem>>) target(%dma_start3A_82 : memref<128x16xf32, #tpu.memory_space<hbm>>) target_semaphore(%run_scoped3A : memref<!tpu.dma_semaphore, #tpu.memory_space<semaphore_mem>>)
      %dma_wait3A_83 = arith.constant 0 : i32
      %dma_wait3A_84 = tpu.memref_slice %arg10[%mul3A_66, %dma_wait3A_83] : memref<4096x16xf32, #tpu.memory_space<hbm>> -> memref<128x16xf32, #tpu.memory_space<hbm>>
      %dma_wait3A_85 = arith.constant 0 : i32
      %dma_wait3A_86 = tpu.memref_slice %arg10[%mul3A_66, %dma_wait3A_85] : memref<4096x16xf32, #tpu.memory_space<hbm>> -> memref<128x16xf32, #tpu.memory_space<hbm>>
      tpu.wait_dma2 semaphore(%run_scoped3A : memref<!tpu.dma_semaphore, #tpu.memory_space<semaphore_mem>>) src(%arg15 : memref<128x16xf32, #tpu.memory_space<vmem>>) dst(%dma_wait3A_86 : memref<128x16xf32, #tpu.memory_space<hbm>>)
      tpu.yield
    }) : () -> ()
    %dma_start3A_73 = arith.constant 0 : i32
    %dma_start3A_74 = arith.constant 0 : i32
    %dma_start3A_75 = tpu.memref_slice %arg7[%dma_start3A_73, %dma_start3A_74] : memref<1007616x16xf32, #tpu.memory_space<hbm>> -> memref<1007616x16xf32, #tpu.memory_space<hbm>>
    tpu.enqueue_indirect_dma source(%dma_start3A_75 : memref<1007616x16xf32, #tpu.memory_space<hbm>>) target(%arg15 : memref<128x16xf32, #tpu.memory_space<vmem>>) offsets(%arg14 : memref<128xi32, #tpu.memory_space<vmem>>) semaphore(%arg16 : memref<!tpu.dma_semaphore, #tpu.memory_space<semaphore_mem>>)
    %dma_wait3A_76 = arith.constant 0 : i32
    %dma_wait3A_77 = arith.constant 0 : i32
    %dma_wait3A_78 = tpu.memref_slice %arg7[%dma_wait3A_76, %dma_wait3A_77] : memref<1007616x16xf32, #tpu.memory_space<hbm>> -> memref<1007616x16xf32, #tpu.memory_space<hbm>>
    tpu.wait_indirect_dma semaphore(%arg16 : memref<!tpu.dma_semaphore, #tpu.memory_space<semaphore_mem>>) src(%dma_wait3A_78 : memref<1007616x16xf32, #tpu.memory_space<hbm>>) dst(%arg15 : memref<128x16xf32, #tpu.memory_space<vmem>>)
    "tpu.region"() ({
      %run_scoped3A = tpu.sem_alloc : memref<!tpu.dma_semaphore, #tpu.memory_space<semaphore_mem>>
      %dma_start3A_79 = arith.constant 0 : i32
      %dma_start3A_80 = tpu.memref_slice %arg11[%mul3A_66, %dma_start3A_79] : memref<4096x16xf32, #tpu.memory_space<hbm>> -> memref<128x16xf32, #tpu.memory_space<hbm>>
      %dma_start3A_81 = arith.constant 0 : i32
      %dma_start3A_82 = tpu.memref_slice %arg11[%mul3A_66, %dma_start3A_81] : memref<4096x16xf32, #tpu.memory_space<hbm>> -> memref<128x16xf32, #tpu.memory_space<hbm>>
      tpu.enqueue_dma source(%arg15 : memref<128x16xf32, #tpu.memory_space<vmem>>) target(%dma_start3A_82 : memref<128x16xf32, #tpu.memory_space<hbm>>) target_semaphore(%run_scoped3A : memref<!tpu.dma_semaphore, #tpu.memory_space<semaphore_mem>>)
      %dma_wait3A_83 = arith.constant 0 : i32
      %dma_wait3A_84 = tpu.memref_slice %arg11[%mul3A_66, %dma_wait3A_83] : memref<4096x16xf32, #tpu.memory_space<hbm>> -> memref<128x16xf32, #tpu.memory_space<hbm>>
      %dma_wait3A_85 = arith.constant 0 : i32
      %dma_wait3A_86 = tpu.memref_slice %arg11[%mul3A_66, %dma_wait3A_85] : memref<4096x16xf32, #tpu.memory_space<hbm>> -> memref<128x16xf32, #tpu.memory_space<hbm>>
      tpu.wait_dma2 semaphore(%run_scoped3A : memref<!tpu.dma_semaphore, #tpu.memory_space<semaphore_mem>>) src(%arg15 : memref<128x16xf32, #tpu.memory_space<vmem>>) dst(%dma_wait3A_86 : memref<128x16xf32, #tpu.memory_space<hbm>>)
      tpu.yield
    }) : () -> ()
    return
  }
}

module attributes {stable_mosaic.version = 14 : i64} {
  func.func @_rp_body(%arg0: i32, %arg1: memref<16x8192xf32, #tpu.memory_space<vmem>>, %arg2: memref<1024x128xf32, #tpu.memory_space<vmem>>) attributes {dimension_semantics = [#tpu.dimension_semantics<arbitrary>], iteration_bounds = array<i64: 123>, scalar_prefetch = 0 : i64, scratch_operands = 0 : i64, tpu.core_type = #tpu.core_type<tc>, window_params = [{transform_indices = @transform_0, window_bounds = array<i64: 16, 8192>}, {transform_indices = @transform_1, window_bounds = array<i64: 1024, 128>}]} {
    %get3A = arith.constant 0 : index
    %get3A_0 = arith.constant 0 : index
    %get3A_1 = vector.load %arg1[%get3A, %get3A_0] : memref<16x8192xf32, #tpu.memory_space<vmem>>, vector<16x8192xf32>
    %slice3A = vector.extract_strided_slice %get3A_1 {offsets = [0, 0], sizes = [16, 1024], strides = [1, 1]} : vector<16x8192xf32> to vector<16x1024xf32>
    %slice3A_2 = vector.extract_strided_slice %get3A_1 {offsets = [0, 1024], sizes = [16, 1024], strides = [1, 1]} : vector<16x8192xf32> to vector<16x1024xf32>
    %slice3A_3 = vector.extract_strided_slice %get3A_1 {offsets = [0, 2048], sizes = [16, 1024], strides = [1, 1]} : vector<16x8192xf32> to vector<16x1024xf32>
    %slice3A_4 = vector.extract_strided_slice %get3A_1 {offsets = [0, 3072], sizes = [16, 1024], strides = [1, 1]} : vector<16x8192xf32> to vector<16x1024xf32>
    %slice3A_5 = vector.extract_strided_slice %get3A_1 {offsets = [0, 4096], sizes = [16, 1024], strides = [1, 1]} : vector<16x8192xf32> to vector<16x1024xf32>
    %slice3A_6 = vector.extract_strided_slice %get3A_1 {offsets = [0, 5120], sizes = [16, 1024], strides = [1, 1]} : vector<16x8192xf32> to vector<16x1024xf32>
    %slice3A_7 = vector.extract_strided_slice %get3A_1 {offsets = [0, 6144], sizes = [16, 1024], strides = [1, 1]} : vector<16x8192xf32> to vector<16x1024xf32>
    %slice3A_8 = vector.extract_strided_slice %get3A_1 {offsets = [0, 7168], sizes = [16, 1024], strides = [1, 1]} : vector<16x8192xf32> to vector<16x1024xf32>
    %concatenate3A = tpu.concatenate %slice3A, %slice3A_2, %slice3A_3, %slice3A_4, %slice3A_5, %slice3A_6, %slice3A_7, %slice3A_8 in 0 : vector<16x1024xf32>, vector<16x1024xf32>, vector<16x1024xf32>, vector<16x1024xf32>, vector<16x1024xf32>, vector<16x1024xf32>, vector<16x1024xf32>, vector<16x1024xf32> -> vector<128x1024xf32>
    %transpose3A = tpu.transpose %concatenate3A, [1, 0] : vector<128x1024xf32> -> vector<1024x128xf32>
    %swap3A = arith.constant 0 : index
    %swap3A_9 = arith.constant 0 : index
    %swap3A_10 = vector.load %arg2[%swap3A, %swap3A_9] : memref<1024x128xf32, #tpu.memory_space<vmem>>, vector<1024x128xf32>
    tpu.vector_store %arg2[%swap3A, %swap3A_9], %transpose3A {strides = array<i32>} : memref<1024x128xf32, #tpu.memory_space<vmem>>, vector<1024x128xf32>,
    return
  }
  func.func @transform_0(%arg0: i32) -> (i32, i32) {
    %c0_i32 = arith.constant 0 : i32
    %c0_i32_0 = arith.constant 0 : i32
    return %c0_i32, %arg0 : i32, i32
  }
  func.func @transform_1(%arg0: i32) -> (i32, i32) {
    %c0_i32 = arith.constant 0 : i32
    %c0_i32_0 = arith.constant 0 : i32
    return %arg0, %c0_i32 : i32, i32
  }
}

module attributes {stable_mosaic.version = 14 : i64} {
  func.func @_tc_body(%arg0: i32, %arg1: memref<6400x16xf32, #tpu.memory_space<vmem>>, %arg2: memref<6400x16xf32, #tpu.memory_space<vmem>>, %arg3: memref<128x16xf32, #tpu.memory_space<vmem>>, %arg4: memref<128x16xf32, #tpu.memory_space<vmem>>, %arg5: memref<16x64xf32, #tpu.memory_space<vmem>>, %arg6: memref<16x64xf32, #tpu.memory_space<vmem>>, %arg7: memref<64x32xf32, #tpu.memory_space<vmem>>, %arg8: memref<32x16xf32, #tpu.memory_space<vmem>>, %arg9: memref<1x64xf32, #tpu.memory_space<vmem>>, %arg10: memref<1x32xf32, #tpu.memory_space<vmem>>, %arg11: memref<1x16xf32, #tpu.memory_space<vmem>>, %arg12: memref<16x1xf32, #tpu.memory_space<vmem>>, %arg13: memref<16x1xf32, #tpu.memory_space<vmem>>, %arg14: memref<1x1xf32, #tpu.memory_space<vmem>>, %arg15: memref<6400x1xf32, #tpu.memory_space<vmem>>) attributes {dimension_semantics = [#tpu.dimension_semantics<arbitrary>], iteration_bounds = array<i64: 32>, scalar_prefetch = 0 : i64, scratch_operands = 0 : i64, tpu.core_type = #tpu.core_type<tc>, window_params = [{transform_indices = @transform_0, window_bounds = array<i64: 6400, 16>}, {transform_indices = @transform_1, window_bounds = array<i64: 6400, 16>}, {transform_indices = @transform_2, window_bounds = array<i64: 128, 16>}, {transform_indices = @transform_3, window_bounds = array<i64: 128, 16>}, {pipeline_mode = #tpu.pipeline_mode<synchronous>, transform_indices = @transform_4, window_bounds = array<i64: 16, 64>}, {pipeline_mode = #tpu.pipeline_mode<synchronous>, transform_indices = @transform_5, window_bounds = array<i64: 16, 64>}, {pipeline_mode = #tpu.pipeline_mode<synchronous>, transform_indices = @transform_6, window_bounds = array<i64: 64, 32>}, {pipeline_mode = #tpu.pipeline_mode<synchronous>, transform_indices = @transform_7, window_bounds = array<i64: 32, 16>}, {pipeline_mode = #tpu.pipeline_mode<synchronous>, transform_indices = @transform_8, window_bounds = array<i64: 1, 64>}, {pipeline_mode = #tpu.pipeline_mode<synchronous>, transform_indices = @transform_9, window_bounds = array<i64: 1, 32>}, {pipeline_mode = #tpu.pipeline_mode<synchronous>, transform_indices = @transform_10, window_bounds = array<i64: 1, 16>}, {pipeline_mode = #tpu.pipeline_mode<synchronous>, transform_indices = @transform_11, window_bounds = array<i64: 16, 1>}, {pipeline_mode = #tpu.pipeline_mode<synchronous>, transform_indices = @transform_12, window_bounds = array<i64: 16, 1>}, {pipeline_mode = #tpu.pipeline_mode<synchronous>, transform_indices = @transform_13, window_bounds = array<i64: 1, 1>}, {transform_indices = @transform_14, window_bounds = array<i64: 6400, 1>}]} {
    %iota3A = tpu.iota {dimensions = array<i32: 0>} : vector<6400x128xi32>
    %iota3A_0 = tpu.iota {dimensions = array<i32: 1>} : vector<6400x128xi32>
    %jit3A = arith.constant 50 : i32
    %div3A = vector.broadcast %jit3A : i32 to vector<6400x128xi32>
    %div3A_1 = arith.divsi %iota3A, %div3A : vector<6400x128xi32>
    %sign3A = arith.constant 0 : i32
    %sign3A_2 = vector.broadcast %sign3A : i32 to vector<6400x128xi32>
    %sign3A_3 = arith.cmpi sgt, %iota3A, %sign3A_2 : vector<6400x128xi32>
    %sign3A_4 = arith.extui %sign3A_3 : vector<6400x128xi1> to vector<6400x128xi32>
    %sign3A_5 = arith.constant 0 : i32
    %sign3A_6 = vector.broadcast %sign3A_5 : i32 to vector<6400x128xi32>
    %sign3A_7 = arith.cmpi slt, %iota3A, %sign3A_6 : vector<6400x128xi32>
    %sign3A_8 = arith.extui %sign3A_7 : vector<6400x128xi1> to vector<6400x128xi32>
    %sign3A_9 = arith.subi %sign3A_4, %sign3A_8 : vector<6400x128xi32>
    %sign3A_10 = arith.constant 0 : i32
    %sign3A_11 = arith.cmpi sgt, %jit3A, %sign3A_10 : i32
    %sign3A_12 = arith.extui %sign3A_11 : i1 to i32
    %sign3A_13 = arith.constant 0 : i32
    %sign3A_14 = arith.cmpi slt, %jit3A, %sign3A_13 : i32
    %sign3A_15 = arith.extui %sign3A_14 : i1 to i32
    %sign3A_16 = arith.subi %sign3A_12, %sign3A_15 : i32
    %ne3A = vector.broadcast %sign3A_16 : i32 to vector<6400x128xi32>
    %ne3A_17 = arith.cmpi ne, %sign3A_9, %ne3A : vector<6400x128xi32>
    %rem3A = vector.broadcast %jit3A : i32 to vector<6400x128xi32>
    %rem3A_18 = arith.remsi %iota3A, %rem3A : vector<6400x128xi32>
    %ne3A_19 = arith.constant 0 : i32
    %ne3A_20 = vector.broadcast %ne3A_19 : i32 to vector<6400x128xi32>
    %ne3A_21 = arith.cmpi ne, %rem3A_18, %ne3A_20 : vector<6400x128xi32>
    %and3A = arith.andi %ne3A_17, %ne3A_21 : vector<6400x128xi1>
    %sub3A = arith.constant 1 : i32
    %sub3A_22 = vector.broadcast %sub3A : i32 to vector<6400x128xi32>
    %sub3A_23 = arith.subi %div3A_1, %sub3A_22 : vector<6400x128xi32>
    %select_n3A = arith.select %and3A, %sub3A_23, %div3A_1 : vector<6400x128xi1>, vector<6400x128xi32>
    %eq3A = arith.cmpi eq, %select_n3A, %iota3A_0 : vector<6400x128xi32>
    %jit3A_24 = arith.constant 1.000000e+00 : f32
    %jit3A_25 = arith.constant 0.000000e+00 : f32
    %broadcast_in_dim3A = vector.broadcast %jit3A_24 : f32 to vector<6400x128xf32>
    %broadcast_in_dim3A_26 = vector.broadcast %jit3A_25 : f32 to vector<6400x128xf32>
    %select_n3A_27 = arith.select %eq3A, %broadcast_in_dim3A, %broadcast_in_dim3A_26 : vector<6400x128xi1>, vector<6400x128xf32>
    %get3A = arith.constant 0 : index
    %get3A_28 = arith.constant 0 : index
    %get3A_29 = vector.load %arg3[%get3A, %get3A_28] : memref<128x16xf32, #tpu.memory_space<vmem>>, vector<128x16xf32>
    %get3A_30 = arith.constant 0 : index
    %get3A_31 = arith.constant 0 : index
    %get3A_32 = vector.load %arg5[%get3A_30, %get3A_31] : memref<16x64xf32, #tpu.memory_space<vmem>>, vector<16x64xf32>
    %dot_general3A = arith.constant dense<0.000000e+00> : vector<128x64xf32>
    %dot_general3A_33 = tpu.matmul %get3A_29, %get3A_32, %dot_general3A {dimension_numbers = #tpu.dot_dimension_numbers<[1], [0], [0], [1], [0, 0, 1, 1], [], []>, transpose_lhs_hint = false} : vector<128x16xf32>, vector<16x64xf32>, vector<128x64xf32> -> vector<128x64xf32>
    %get3A_34 = arith.constant 0 : index
    %get3A_35 = arith.constant 0 : index
    %get3A_36 = vector.load %arg9[%get3A_34, %get3A_35] : memref<1x64xf32, #tpu.memory_space<vmem>>, vector<1x64xf32>
    %add3A = vector.broadcast %get3A_36 : vector<1x64xf32> to vector<128x64xf32>
    %add3A_37 = arith.addf %dot_general3A_33, %add3A : vector<128x64xf32>
    %get3A_38 = arith.constant 0 : index
    %get3A_39 = arith.constant 0 : index
    %get3A_40 = vector.load %arg1[%get3A_38, %get3A_39] : memref<6400x16xf32, #tpu.memory_space<vmem>>, vector<6400x16xf32>
    %get3A_41 = arith.constant 0 : index
    %get3A_42 = arith.constant 0 : index
    %get3A_43 = vector.load %arg6[%get3A_41, %get3A_42] : memref<16x64xf32, #tpu.memory_space<vmem>>, vector<16x64xf32>
    %dot_general3A_44 = arith.constant dense<0.000000e+00> : vector<6400x64xf32>
    %dot_general3A_45 = tpu.matmul %get3A_40, %get3A_43, %dot_general3A_44 {dimension_numbers = #tpu.dot_dimension_numbers<[1], [0], [0], [1], [0, 0, 1, 1], [], []>, transpose_lhs_hint = false} : vector<6400x16xf32>, vector<16x64xf32>, vector<6400x64xf32> -> vector<6400x64xf32>
    %dot_general3A_46 = arith.constant dense<0.000000e+00> : vector<6400x64xf32>
    %dot_general3A_47 = tpu.matmul %select_n3A_27, %add3A_37, %dot_general3A_46 {dimension_numbers = #tpu.dot_dimension_numbers<[1], [0], [0], [1], [0, 0, 1, 1], [], []>, transpose_lhs_hint = false} : vector<6400x128xf32>, vector<128x64xf32>, vector<6400x64xf32> -> vector<6400x64xf32>
    %add3A_48 = arith.addf %dot_general3A_45, %dot_general3A_47 : vector<6400x64xf32>
    %max3A = arith.constant 0.000000e+00 : f32
    %max3A_49 = vector.broadcast %max3A : f32 to vector<6400x64xf32>
    %max3A_50 = arith.maximumf %add3A_48, %max3A_49 : vector<6400x64xf32>
    %get3A_51 = arith.constant 0 : index
    %get3A_52 = arith.constant 0 : index
    %get3A_53 = vector.load %arg7[%get3A_51, %get3A_52] : memref<64x32xf32, #tpu.memory_space<vmem>>, vector<64x32xf32>
    %dot_general3A_54 = arith.constant dense<0.000000e+00> : vector<6400x32xf32>
    %dot_general3A_55 = tpu.matmul %max3A_50, %get3A_53, %dot_general3A_54 {dimension_numbers = #tpu.dot_dimension_numbers<[1], [0], [0], [1], [0, 0, 1, 1], [], []>, transpose_lhs_hint = false} : vector<6400x64xf32>, vector<64x32xf32>, vector<6400x32xf32> -> vector<6400x32xf32>
    %get3A_56 = arith.constant 0 : index
    %get3A_57 = arith.constant 0 : index
    %get3A_58 = vector.load %arg10[%get3A_56, %get3A_57] : memref<1x32xf32, #tpu.memory_space<vmem>>, vector<1x32xf32>
    %add3A_59 = vector.broadcast %get3A_58 : vector<1x32xf32> to vector<6400x32xf32>
    %add3A_60 = arith.addf %dot_general3A_55, %add3A_59 : vector<6400x32xf32>
    %max3A_61 = arith.constant 0.000000e+00 : f32
    %max3A_62 = vector.broadcast %max3A_61 : f32 to vector<6400x32xf32>
    %max3A_63 = arith.maximumf %add3A_60, %max3A_62 : vector<6400x32xf32>
    %get3A_64 = arith.constant 0 : index
    %get3A_65 = arith.constant 0 : index
    %get3A_66 = vector.load %arg8[%get3A_64, %get3A_65] : memref<32x16xf32, #tpu.memory_space<vmem>>, vector<32x16xf32>
    %dot_general3A_67 = arith.constant dense<0.000000e+00> : vector<6400x16xf32>
    %dot_general3A_68 = tpu.matmul %max3A_63, %get3A_66, %dot_general3A_67 {dimension_numbers = #tpu.dot_dimension_numbers<[1], [0], [0], [1], [0, 0, 1, 1], [], []>, transpose_lhs_hint = false} : vector<6400x32xf32>, vector<32x16xf32>, vector<6400x16xf32> -> vector<6400x16xf32>
    %get3A_69 = arith.constant 0 : index
    %get3A_70 = arith.constant 0 : index
    %get3A_71 = vector.load %arg11[%get3A_69, %get3A_70] : memref<1x16xf32, #tpu.memory_space<vmem>>, vector<1x16xf32>
    %add3A_72 = vector.broadcast %get3A_71 : vector<1x16xf32> to vector<6400x16xf32>
    %add3A_73 = arith.addf %dot_general3A_68, %add3A_72 : vector<6400x16xf32>
    %max3A_74 = arith.constant 0.000000e+00 : f32
    %max3A_75 = vector.broadcast %max3A_74 : f32 to vector<6400x16xf32>
    %max3A_76 = arith.maximumf %add3A_73, %max3A_75 : vector<6400x16xf32>
    %get3A_77 = arith.constant 0 : index
    %get3A_78 = arith.constant 0 : index
    %get3A_79 = vector.load %arg2[%get3A_77, %get3A_78] : memref<6400x16xf32, #tpu.memory_space<vmem>>, vector<6400x16xf32>
    %get3A_80 = arith.constant 0 : index
    %get3A_81 = arith.constant 0 : index
    %get3A_82 = vector.load %arg4[%get3A_80, %get3A_81] : memref<128x16xf32, #tpu.memory_space<vmem>>, vector<128x16xf32>
    %dot_general3A_83 = arith.constant dense<0.000000e+00> : vector<6400x16xf32>
    %dot_general3A_84 = tpu.matmul %select_n3A_27, %get3A_82, %dot_general3A_83 {dimension_numbers = #tpu.dot_dimension_numbers<[1], [0], [0], [1], [0, 0, 1, 1], [], []>, transpose_lhs_hint = false} : vector<6400x128xf32>, vector<128x16xf32>, vector<6400x16xf32> -> vector<6400x16xf32>
    %mul3A = arith.mulf %get3A_79, %dot_general3A_84 : vector<6400x16xf32>
    %get3A_85 = arith.constant 0 : index
    %get3A_86 = arith.constant 0 : index
    %get3A_87 = vector.load %arg12[%get3A_85, %get3A_86] : memref<16x1xf32, #tpu.memory_space<vmem>>, vector<16x1xf32>
    %dot_general3A_88 = arith.constant dense<0.000000e+00> : vector<6400x1xf32>
    %dot_general3A_89 = tpu.matmul %max3A_76, %get3A_87, %dot_general3A_88 {dimension_numbers = #tpu.dot_dimension_numbers<[1], [0], [0], [1], [0, 0, 1, 1], [], []>, transpose_lhs_hint = false} : vector<6400x16xf32>, vector<16x1xf32>, vector<6400x1xf32> -> vector<6400x1xf32>
    %get3A_90 = arith.constant 0 : index
    %get3A_91 = arith.constant 0 : index
    %get3A_92 = vector.load %arg13[%get3A_90, %get3A_91] : memref<16x1xf32, #tpu.memory_space<vmem>>, vector<16x1xf32>
    %dot_general3A_93 = arith.constant dense<0.000000e+00> : vector<6400x1xf32>
    %dot_general3A_94 = tpu.matmul %mul3A, %get3A_92, %dot_general3A_93 {dimension_numbers = #tpu.dot_dimension_numbers<[1], [0], [0], [1], [0, 0, 1, 1], [], []>, transpose_lhs_hint = false} : vector<6400x16xf32>, vector<16x1xf32>, vector<6400x1xf32> -> vector<6400x1xf32>
    %add3A_95 = arith.addf %dot_general3A_89, %dot_general3A_94 : vector<6400x1xf32>
    %get3A_96 = arith.constant 0 : index
    %get3A_97 = arith.constant 0 : index
    %get3A_98 = vector.load %arg14[%get3A_96, %get3A_97] : memref<1x1xf32, #tpu.memory_space<vmem>>, vector<1x1xf32>
    %add3A_99 = vector.broadcast %get3A_98 : vector<1x1xf32> to vector<6400x1xf32>
    %add3A_100 = arith.addf %add3A_95, %add3A_99 : vector<6400x1xf32>
    %swap3A = arith.constant 0 : index
    %swap3A_101 = arith.constant 0 : index
    %swap3A_102 = vector.load %arg15[%swap3A, %swap3A_101] : memref<6400x1xf32, #tpu.memory_space<vmem>>, vector<6400x1xf32>
    tpu.vector_store %arg15[%swap3A, %swap3A_101], %add3A_100 {strides = array<i32>} : memref<6400x1xf32, #tpu.memory_space<vmem>>, vector<6400x1xf32>,
    return
  }
  func.func @transform_0(%arg0: i32) -> (i32, i32) {
    %c0_i32 = arith.constant 0 : i32
    %c0_i32_0 = arith.constant 0 : i32
    return %arg0, %c0_i32 : i32, i32
  }
  func.func @transform_1(%arg0: i32) -> (i32, i32) {
    %c0_i32 = arith.constant 0 : i32
    %c0_i32_0 = arith.constant 0 : i32
    return %arg0, %c0_i32 : i32, i32
  }
  func.func @transform_2(%arg0: i32) -> (i32, i32) {
    %c0_i32 = arith.constant 0 : i32
    %c0_i32_0 = arith.constant 0 : i32
    return %arg0, %c0_i32 : i32, i32
  }
  func.func @transform_3(%arg0: i32) -> (i32, i32) {
    %c0_i32 = arith.constant 0 : i32
    %c0_i32_0 = arith.constant 0 : i32
    return %arg0, %c0_i32 : i32, i32
  }
  func.func @transform_4(%arg0: i32) -> (i32, i32) {
    %c0_i32 = arith.constant 0 : i32
    %c0_i32_0 = arith.constant 0 : i32
    %c0_i32_1 = arith.constant 0 : i32
    return %c0_i32, %c0_i32_0 : i32, i32
  }
  func.func @transform_5(%arg0: i32) -> (i32, i32) {
    %c0_i32 = arith.constant 0 : i32
    %c0_i32_0 = arith.constant 0 : i32
    %c0_i32_1 = arith.constant 0 : i32
    return %c0_i32, %c0_i32_0 : i32, i32
  }
  func.func @transform_6(%arg0: i32) -> (i32, i32) {
    %c0_i32 = arith.constant 0 : i32
    %c0_i32_0 = arith.constant 0 : i32
    %c0_i32_1 = arith.constant 0 : i32
    return %c0_i32, %c0_i32_0 : i32, i32
  }
  func.func @transform_7(%arg0: i32) -> (i32, i32) {
    %c0_i32 = arith.constant 0 : i32
    %c0_i32_0 = arith.constant 0 : i32
    %c0_i32_1 = arith.constant 0 : i32
    return %c0_i32, %c0_i32_0 : i32, i32
  }
  func.func @transform_8(%arg0: i32) -> (i32, i32) {
    %c0_i32 = arith.constant 0 : i32
    %c0_i32_0 = arith.constant 0 : i32
    %c0_i32_1 = arith.constant 0 : i32
    return %c0_i32, %c0_i32_0 : i32, i32
  }
  func.func @transform_9(%arg0: i32) -> (i32, i32) {
    %c0_i32 = arith.constant 0 : i32
    %c0_i32_0 = arith.constant 0 : i32
    %c0_i32_1 = arith.constant 0 : i32
    return %c0_i32, %c0_i32_0 : i32, i32
  }
  func.func @transform_10(%arg0: i32) -> (i32, i32) {
    %c0_i32 = arith.constant 0 : i32
    %c0_i32_0 = arith.constant 0 : i32
    %c0_i32_1 = arith.constant 0 : i32
    return %c0_i32, %c0_i32_0 : i32, i32
  }
  func.func @transform_11(%arg0: i32) -> (i32, i32) {
    %c0_i32 = arith.constant 0 : i32
    %c0_i32_0 = arith.constant 0 : i32
    %c0_i32_1 = arith.constant 0 : i32
    return %c0_i32, %c0_i32_0 : i32, i32
  }
  func.func @transform_12(%arg0: i32) -> (i32, i32) {
    %c0_i32 = arith.constant 0 : i32
    %c0_i32_0 = arith.constant 0 : i32
    %c0_i32_1 = arith.constant 0 : i32
    return %c0_i32, %c0_i32_0 : i32, i32
  }
  func.func @transform_13(%arg0: i32) -> (i32, i32) {
    %c0_i32 = arith.constant 0 : i32
    %c0_i32_0 = arith.constant 0 : i32
    %c0_i32_1 = arith.constant 0 : i32
    return %c0_i32, %c0_i32_0 : i32, i32
  }
  func.func @transform_14(%arg0: i32) -> (i32, i32) {
    %c0_i32 = arith.constant 0 : i32
    %c0_i32_0 = arith.constant 0 : i32
    return %arg0, %c0_i32 : i32, i32
  }
}

</mosaic_0001>

<sc_bundles>
// kernel: kernel.8.cloned.1.call-start
scs
__scs_entry_jumppad:
0x0: {  	(pc) =	sbr.rel $0x88, $3  }
0x1: {  	(tag) =	ssettag $0x0;
	lr =	simm.s32 $0x1  }
0x2: {  	[smem:$0x3F93] =	sst lr;
	_ =	strace $0xD0000000  }
0x3: {  	_ = 	snop  }
0x4: {  	_ = 	snop  }
0x5: {  	_ = 	snop  }
0x6: {  	_ = 	snop  }
0x7: {  	_ = 	snop  }
__scs_overlays_trampoline_lowered:
0x8: {  	[smem:$0x3FA2] =	sst s0  }
0x9: {  	[smem:$0x3FA3] =	sst s1  }
0xa: {  	[smem:$0x3FA4] =	sst s2  }
0xb: {  	[smem:$0x3FA5] =	sst s3  }
0xc: {  	[smem:$0x3FA6] =	sst s4  }
0xd: {  	[smem:$0x3FA7] =	sst s5  }
0xe: {  	[smem:$0x3FA8] =	sst s6  }
0xf: {  	[smem:$0x3FA9] =	sst s7  }
0x10: {  	[smem:$0x3FAA] =	sst s8  }
0x11: {  	[smem:$0x3FAB] =	sst s9;
	s0 =	simm.s32 @!p0 $0x0  }
0x12: {  	s1 =	sld [smem:$0x3F91];
	s0 =	simm.s32 @p0 $0x1  }
0x13: {  	[smem:$0x3FAC] =	sst s0;
	s0 =	simm.s32 @!p1 $0x0  }
0x14: {  	s2 =	sld [smem:$0x3F90];
	s0 =	simm.s32 @p1 $0x1  }
0x15: {  	[smem:$0x3FAD] =	sst s0;
	s0 =	simm.s32 @!p2 $0x0  }
0x16: {  	s3 =	sld [smem:$0x3FDB];
	s0 =	simm.s32 @p2 $0x1  }
0x17: {  	s4 =	simm.s32 $0x1BF5;
	[smem:$0x3FAF] =	sst s0  }
0x18: {  	s0 =	sld [smem:$0x3F92];
	_ =	swait.ge [sflag:s4], $0x0  }
0x19: {  	s7 =	sld [smem:$0x3F93]  }
0x1a: {  	s8 =	sadd.s32 $0xFFFFE003, lr  }
0x1b: {  	s9 =	sadd.s32 $0xFFFFFEF7, lr;
	s5 =	simm.s32 $0xFFFFFFFF;
	p2 =	slt.u32 s8, $0xFFFFF086  }
0x1c: {  	p1 =	slt.u32 s9, $0xF7A;
	s5 =	simm.s32 @!p2 $0x0  }
0x1d: {  	s5 =	simm.s32 @p1 $0x1;
	p0 =	seq.s32 s7, s2  }
0x1e: {  	s7 =	smul.u32 @!p0 $0xF7A, s2;
	p2 =	seq.s32 @!p0 s5, $0x0  }
0x1f: {  	s9 =	smul.u32 $0xF7A, s1;
	s8 =	simm.s32 @!p0 $0x1BF5;
	p2 =	por !p2, p0  }
0x20: {  	[sflag:s8] =	ssyncset.s32 @!p0 $0xFFFFF086;
	s6 =	sadd.s32 @!p0 s3, s7;
	s7 =	simm.s32 @!p0 $0x108  }
0x21: {  	s3 =	sadd.s32 s3, s9;
	s6 =	sadd.s32 @!p0 $0x88, s6;
	s7 =	simm.s32 @p2 $0x1082  }
0x22: {  	[simem:s7], [sflag:s8] =	dma.local @!p0 [hbm:s6], $0xF7A  }
0x23: {  	s9 =	sor.u32 $0xD0000000, s2;
	s6 =	simm.s32 $0x108;
	_ =	swait.ge @!p0 [sflag:s8], $0x0  }
0x24: {  	s3 =	sadd.s32 $0x88, s3;
	s6 =	simm.s32 @!p1 $0x1082;
	[sflag:s4] =	ssyncset.s32 $0xFFFFF086  }
0x25: {  	[simem:s6], [sflag:s4] =	dma.local [hbm:s3], $0xF7A  }
0x26: {  	[smem:$0x3F93] =	sst s1;
	(tag) =	ssettag s2;
	_ =	strace s9  }
0x27: {  	s1 =	sld [smem:$0x3FA3]  }
0x28: {  	s2 =	sld [smem:$0x3FA4]  }
0x29: {  	s4 =	sld [smem:$0x3FA6]  }
0x2a: {  	p0 =	seq.s32 s5, $0x0;
	s5 =	sld [smem:$0x3FA7]  }
0x2b: {  	s6 =	sld [smem:$0x3FA8]  }
0x2c: {  	s7 =	sld [smem:$0x3FA9]  }
0x2d: {  	s3 =	simm.s32 $0x108;
	s8 =	sld [smem:$0x3FAA]  }
0x2e: {  	s3 =	simm.s32 @!p0 $0x1082;
	s9 =	sld [smem:$0x3FAB]  }
0x2f: {  	lr =	sadd.s32 s0, s3;
	s0 =	sld [smem:$0x3FA2]  }
0x30: {  	s3 =	sld [smem:$0x3FA5]  }
0x31: {  	[smem:$0x3FAE] =	sst s10  }
0x32: {  	s10 =	sld [smem:$0x3FAC];
	_ =	sdelay $0x3  }
0x33: {  	p0 =	seq.s32 s10, $0x1;
	s10 =	sld [smem:$0x3FAE];
	_ =	sdelay $0x3  }
0x34: {  	[smem:$0x3FAE] =	sst s10  }
0x35: {  	s10 =	sld [smem:$0x3FAD];
	_ =	sdelay $0x3  }
0x36: {  	p1 =	seq.s32 s10, $0x1;
	s10 =	sld [smem:$0x3FAE];
	_ =	sdelay $0x3  }
0x37: {  	[smem:$0x3FAE] =	sst s10  }
0x38: {  	s10 =	sld [smem:$0x3FAF]  }
0x39: {  	_ = 	snop;
	(pc) =	sbr.ind lr, $3  }
0x3a: {  	_ = 	snop  }
0x3b: {  	_ = 	snop  }
0x3c: {  	p2 =	seq.s32 s10, $0x1;
	s10 =	sld [smem:$0x3FAE]  }
0x3d: {  	_ =	shalt  }
0x3e: {  	_ =	shalt  }
0x3f: {  	_ =	shalt  }
0x40: {  	_ =	shalt  }
0x41: {  	_ =	shalt  }
0x42: {  	_ =	shalt  }
0x43: {  	_ =	shalt  }
0x44: {  	_ =	shalt  }
0x45: {  	_ =	shalt  }
0x46: {  	_ =	shalt  }
0x47: {  	_ =	shalt  }
0x48: {  	_ =	shalt  }
0x49: {  	_ =	shalt  }
0x4a: {  	_ =	shalt  }
0x4b: {  	_ =	shalt  }
0x4c: {  	_ =	shalt  }
0x4d: {  	_ =	shalt  }
0x4e: {  	_ =	shalt  }
0x4f: {  	_ =	shalt  }
0x50: {  	_ =	shalt  }
0x51: {  	_ =	shalt  }
0x52: {  	_ =	shalt  }
0x53: {  	_ =	shalt  }
0x54: {  	_ =	shalt  }
0x55: {  	_ =	shalt  }
0x56: {  	_ =	shalt  }
0x57: {  	_ =	shalt  }
0x58: {  	_ =	shalt  }
0x59: {  	_ =	shalt  }
0x5a: {  	_ =	shalt  }
0x5b: {  	_ =	shalt  }
0x5c: {  	_ =	shalt  }
0x5d: {  	_ =	shalt  }
0x5e: {  	_ =	shalt  }
0x5f: {  	_ =	shalt  }
0x60: {  	_ =	shalt  }
0x61: {  	_ =	shalt  }
0x62: {  	_ =	shalt  }
0x63: {  	_ =	shalt  }
0x64: {  	_ =	shalt  }
0x65: {  	_ =	shalt  }
0x66: {  	_ =	shalt  }
0x67: {  	_ =	shalt  }
0x68: {  	_ =	shalt  }
0x69: {  	_ =	shalt  }
0x6a: {  	_ =	shalt  }
0x6b: {  	_ =	shalt  }
0x6c: {  	_ =	shalt  }
0x6d: {  	_ =	shalt  }
0x6e: {  	_ =	shalt  }
0x6f: {  	_ =	shalt  }
0x70: {  	_ =	shalt  }
0x71: {  	_ =	shalt  }
0x72: {  	_ =	shalt  }
0x73: {  	_ =	shalt  }
0x74: {  	_ =	shalt  }
0x75: {  	_ =	shalt  }
0x76: {  	_ =	shalt  }
0x77: {  	_ =	shalt  }
0x78: {  	_ =	shalt  }
0x79: {  	_ =	shalt  }
0x7a: {  	_ =	shalt  }
0x7b: {  	_ =	shalt  }
0x7c: {  	_ =	shalt  }
0x7d: {  	_ =	shalt  }
0x7e: {  	_ =	shalt  }
0x7f: {  	_ =	shalt  }
0x80: {  	_ =	shalt  }
0x81: {  	_ =	shalt  }
0x82: {  	_ =	shalt  }
0x83: {  	_ =	shalt  }
0x84: {  	_ =	shalt  }
0x85: {  	_ =	shalt  }
0x86: {  	_ =	shalt  }
0x87: {  	_ =	shalt  }
.Lfunc_end0:
.L_simem_size_0:
called_computation_lowered:
.L_overlay_start_0:
0x88: {  	s2 =	sld [smem:$0x3FD9]  }
0x89: {  	s3 =	sld [smem:$0x3FFE];
	_ =	sdelay $0x1  }
0x8a: {  	s1 =	srdreg.scid  }
0x8b: {  	s0 =	sand.u32 $0x1, s1  }
0x8c: {  	s17 =	sshll.u32 s0, $0xA;
	s2 =	sadd.s32 s3, s2  }
0x8d: {  	s2 =	sadd.s32 s2, s17  }
0x8e: {  	[smem:$0x3FBA] =	sst s2  }
0x8f: {  	_ = 	snop  }
0x90: {  	s2 =	sld [smem:$0x3FD0];
	(tm) =	ssettm $0x1  }
0x91: {  	s18 =	sld [smem:$0x3FFB];
	_ =	sdelay $0x3  }
0x92: {  	_ =	strace s18  }
0x93: {  	s3 =	sld [smem:$0x3FFC];
	_ =	sdelay $0x3  }
0x94: {  	_ =	strace s3  }
0x95: {  	s3 =	sld [smem:$0x3FFD];
	_ =	sdelay $0x3  }
0x96: {  	_ =	strace s3  }
0x97: {  	_ =	strace $0x8FFFFFFF  }
0x98: {  	s19 =	sld [smem:$0x3FDB];
	_ =	sdelay $0x1  }
0x99: {  	s4 =	simm.s32 $_scs_section_size  }
0x9a: {  	s5 =	simm.s32 $_size__tile_overlayer_lowered;
	s6 =	simm.s32 $_tile_overlayer_lowered  }
0x9b: {  	s22 =	simm.s32 $0x1BFF;
	s21 =	sshll.u32 s6, $0x1;
	s3 =	sadd.s32 s4, s19  }
0x9c: {  	s7 =	simm.s32 $0x0;
	s20 =	sshll.u32 s5, $0x1;
	s5 =	sadd.s32 s21, s3  }
0x9d: {  	[timem:s7], [sflag:s22] =	dma.local [hbm:s5], s20  }
0x9e: {  	_ =	swait.ge [sflag:s22], s20  }
0x9f: {  	s4 =	ssub.s32 $0x0, s20;
	[sflag:s22] =	ssyncset.done $0x0  }
0xa0: {  	[sflag:s22] =	ssyncadd.s32 s4;
	_ =	sdelay $0x1  }
0xa1: {  	s23 =	simm.s32 $0x1B8B  }
0xa2: {  	_ =	swait.ge [sflag:s23], $0x1  }
0xa3: {  	[sflag:s23] =	ssyncset.done $0x0  }
0xa4: {  	s25 =	simm.s32 $0x1B8E;
	s24 =	sld [smem:$0x3FFE];
	[sflag:s23] =	ssyncadd.s32 $0xFFFFFFFF  }
0xa5: {  	s26 =	simm.s32 $execute0_lowered;
	[smem:$0x3FD2] =	sst s25  }
0xa6: {  	s5 =	sshll.u32 s26, $0x1;
	_ =	strace $0x80000046;
	[dreg:$0x1] =	wrdreg $0xFFFFFFFF  }
0xa7: {  	s28 =	simm.s32 $_size_execute0_lowered;
	s3 =	sadd.s32 s3, s5;
	[dreg:$0x0] =	wrdreg $0x0  }
0xa8: {  	s5 =	sshll.u32 s28, $0x1;
	[dreg:$0x2] =	wrdreg s3  }
0xa9: {  	[dreg:$0x3] =	wrdreg s5  }
0xaa: {  	[dreg:$0x4] =	wrdreg $0xC0  }
0xab: {  	_ =	task [dreg:s7], $0x5FFFF  }
0xac: {  	[dreg:$0x1] =	wrdreg $0xFFFFFFFF  }
0xad: {  	[dreg:$0x0] =	wrdreg $0x60  }
0xae: {  	[dreg:$0x2] =	wrdreg s2  }
0xaf: {  	[dreg:$0x3] =	wrdreg s24  }
0xb0: {  	[dreg:$0x4] =	wrdreg $0x9  }
0xb1: {  	_ =	task.clear_ibuf [dreg:s7], $0x5FFFF;
	_ =	strace $0x90000046  }
0xb2: {  	s29 =	simm.s32 $0x9;
	_ =	strace $0x80000048  }
0xb3: {  	_ =	swait.ge [sflag:s29], $0x1  }
0xb4: {  	[sflag:s29] =	ssyncadd.s32 $0xFFFFFFFF  }
0xb5: {  	_ =	strace $0x90000048  }
0xb6: {  	_ =	sfence  }
0xb7: {  	s30 =	sld [smem:$0x0];
	_ =	sdelay $0x2  }
0xb8: {  	s31 =	sshll.u32 s1, $0xD;
	s1 =	sshrl.u32 s1, $0x2  }
0xb9: {  	s3 =	sand.u32 $0x4000, s31;
	s1 =	sadd.s32 s1, s30  }
0xba: {  	s0 =	sor.u32 s3, s0;
	s1 =	sshll.u32 s1, $0x11  }
0xbb: {  	s0 =	sor.u32 s1, s0  }
0xbc: {  	s0 =	sadd.s32 $0x8F2B, s0  }
0xbd: {  	[sflag:s0] =	ssyncadd.remote.s32 $0x1  }
0xbe: {  	_ =	sfence.sel $0xFFFF  }
0xbf: {  	[dreg:$0x0] =	wrdreg $0xFFFFFFFF;
	(pc) =	sbr.abs _section_cstart, $3  }
0xc0: {  	[dreg:$0x1] =	wrdreg $0xFFFFFFFF  }
0xc1: {  	_ =	task.clear_ibuf [dreg:s7], $0x2FFFF;
	_ =	strace $0x9FFFFFFF  }
0xc2: {  	(tm) =	ssettm $0x7FFFFFFF  }
0xc3: {  	_ =	shalt  }
tec
execute0_lowered:
.L_overlay_start_1:
0x0: {  	(tag) =	ssettag $0x1  }
0x1: {  	s1 =	srdreg.scid;
	s0 =	stileid.u32  }
0x2: {  	s28 =	sand.u32 $0x1, s1;
	s26 =	sshll.u32 s0, $0x1  }
0x3: {  	s13 =	rddreg [dreg:$0x0];
	s25 =	sor.u32 s28, s26  }
0x4: {  	s2 =	simm.s32 $0x0;
	s1 =	rddreg [dreg:$0x2];
	s14 =	smul.u32 $0x1900, s25  }
0x5: {  	[smem:$0x7FF] =	sst s2  }
0x6: {  	s26 =	rddreg [dreg:$0x1];
	s3 =	sshrl.u32 s14, $0x3  }
0x7: {  	_ =	strace $0x80000047;
	s4 =	sadd.s32 s13, s3;
	s3 =	simm.s32 $0x2  }
0x8: {  	[tilespmem:s2], [sflag:$0x2] =	stream.linear.gather [hbm4b:s4+s2], $0x640, $0x38;
	[tilespmem:$0x72C0] =	vst v63  }
0x9: {  	_ =	swait.ge [sflag:s3], $0x640  }
0xa: {  	s6 =	simm.s32 $0x640;
	[sflag:s3] =	ssyncset.done $0x0  }
0xb: {  	s7 =	simm.s32 $0x1;
	s5 =	sadd.s32 $0x1EDA00, s26;
	[sflag:s3] =	ssyncadd.s32 $0xFFFFF9C0  }
0xc: {  	[tilespmem:s6], [sflag:$0x1] =	stream.indirect.gather [hbm4b:s5+s6], $0x10, s2, s6, $0xb8;
	[tilespmem:$0x72C0] =	vst v63  }
0xd: {  	s16 =	smul.u32 $0x3200, s25;
	_ =	swait.ge [sflag:s7], $0x6400  }
0xe: {  	s15 =	sadd.s32 $0x819A00, s26;
	[sflag:s7] =	ssyncset.done $0x0  }
0xf: {  	s8 =	sadd.s32 s15, s16;
	[sflag:s7] =	ssyncadd.s32 $0xFFFF9C00  }
0x10: {  	[hbm4b:s8+s2] =	stream.linear.scatter [tilespmem:s6], [sflag:$0x2], $0x6400, $0x38;
	[tilespmem:$0x72C0] =	vst v63  }
0x11: {  	s10 =	sadd.s32 $0x640, s14;
	_ =	swait.ge [sflag:s3], $0x6400  }
0x12: {  	s9 =	sshrl.u32 s10, $0x3;
	[sflag:s3] =	ssyncset.done $0x0  }
0x13: {  	s9 =	sadd.s32 s13, s9;
	[sflag:s3] =	ssyncadd.s32 $0xFFFF9C00  }
0x14: {  	[tilespmem:s2], [sflag:$0x2] =	stream.linear.gather [hbm4b:s9+s2], $0x640, $0x38;
	[tilespmem:$0x72C0] =	vst v63  }
0x15: {  	_ =	swait.ge [sflag:s3], $0x640  }
0x16: {  	[sflag:s3] =	ssyncset.done $0x0  }
0x17: {  	[sflag:s3] =	ssyncadd.s32 $0xFFFFF9C0  }
0x18: {  	[tilespmem:s6], [sflag:$0x1] =	stream.indirect.gather [hbm4b:s5+s6], $0x10, s2, s6, $0xb8;
	[tilespmem:$0x72C0] =	vst v63  }
0x19: {  	_ =	swait.ge [sflag:s7], $0x6400  }
0x1a: {  	s17 =	sshll.u32 s10, $0x1;
	[sflag:s7] =	ssyncset.done $0x0  }
0x1b: {  	s10 =	sadd.s32 s15, s17;
	[sflag:s7] =	ssyncadd.s32 $0xFFFF9C00  }
0x1c: {  	[hbm4b:s10+s2] =	stream.linear.scatter [tilespmem:s6], [sflag:$0x2], $0x6400, $0x38;
	[tilespmem:$0x72C0] =	vst v63  }
0x1d: {  	s12 =	sadd.s32 $0xC80, s14;
	_ =	swait.ge [sflag:s3], $0x6400  }
0x1e: {  	s11 =	sshrl.u32 s12, $0x3;
	[sflag:s3] =	ssyncset.done $0x0  }
0x1f: {  	s11 =	sadd.s32 s13, s11;
	[sflag:s3] =	ssyncadd.s32 $0xFFFF9C00  }
0x20: {  	[tilespmem:s2], [sflag:$0x2] =	stream.linear.gather [hbm4b:s11+s2], $0x640, $0x38;
	[tilespmem:$0x72C0] =	vst v63  }
0x21: {  	_ =	swait.ge [sflag:s3], $0x640  }
0x22: {  	[sflag:s3] =	ssyncset.done $0x0  }
0x23: {  	[sflag:s3] =	ssyncadd.s32 $0xFFFFF9C0  }
0x24: {  	[tilespmem:s6], [sflag:$0x1] =	stream.indirect.gather [hbm4b:s5+s6], $0x10, s2, s6, $0xb8;
	[tilespmem:$0x72C0] =	vst v63  }
0x25: {  	_ =	swait.ge [sflag:s7], $0x6400  }
0x26: {  	s18 =	sshll.u32 s12, $0x1;
	[sflag:s7] =	ssyncset.done $0x0  }
0x27: {  	s12 =	sadd.s32 s15, s18;
	[sflag:s7] =	ssyncadd.s32 $0xFFFF9C00  }
0x28: {  	[hbm4b:s12+s2] =	stream.linear.scatter [tilespmem:s6], [sflag:$0x2], $0x6400, $0x38;
	[tilespmem:$0x72C0] =	vst v63  }
0x29: {  	s14 =	sadd.s32 $0x12C0, s14;
	_ =	swait.ge [sflag:s3], $0x6400  }
0x2a: {  	s19 =	sshrl.u32 s14, $0x3;
	[sflag:s3] =	ssyncset.done $0x0  }
0x2b: {  	s13 =	sadd.s32 s13, s19;
	[sflag:s3] =	ssyncadd.s32 $0xFFFF9C00  }
0x2c: {  	[tilespmem:s2], [sflag:$0x2] =	stream.linear.gather [hbm4b:s13+s2], $0x640, $0x38;
	[tilespmem:$0x72C0] =	vst v63  }
0x2d: {  	_ =	swait.ge [sflag:s3], $0x640  }
0x2e: {  	[sflag:s3] =	ssyncset.done $0x0  }
0x2f: {  	[sflag:s3] =	ssyncadd.s32 $0xFFFFF9C0  }
0x30: {  	[tilespmem:s6], [sflag:$0x1] =	stream.indirect.gather [hbm4b:s5+s6], $0x10, s2, s6, $0xb8;
	[tilespmem:$0x72C0] =	vst v63  }
0x31: {  	_ =	swait.ge [sflag:s7], $0x6400  }
0x32: {  	s30 =	sshll.u32 s14, $0x1;
	[sflag:s7] =	ssyncset.done $0x0  }
0x33: {  	s14 =	sadd.s32 s15, s30;
	[sflag:s7] =	ssyncadd.s32 $0xFFFF9C00  }
0x34: {  	[hbm4b:s14+s2] =	stream.linear.scatter [tilespmem:s6], [sflag:$0x2], $0x6400, $0x38;
	[tilespmem:$0x72C0] =	vst v63  }
0x35: {  	_ =	swait.ge [sflag:s3], $0x6400  }
0x36: {  	[sflag:s3] =	ssyncset.done $0x0  }
0x37: {  	[sflag:s3] =	ssyncadd.s32 $0xFFFF9C00  }
0x38: {  	[tilespmem:s2], [sflag:$0x2] =	stream.linear.gather [hbm4b:s4+s2], $0x640, $0x38;
	[tilespmem:$0x72C0] =	vst v63  }
0x39: {  	_ =	swait.ge [sflag:s3], $0x640  }
0x3a: {  	[sflag:s3] =	ssyncset.done $0x0  }
0x3b: {  	s15 =	sadd.s32 $0x5C5A00, s26;
	[sflag:s3] =	ssyncadd.s32 $0xFFFFF9C0  }
0x3c: {  	[tilespmem:s6], [sflag:$0x1] =	stream.indirect.gather [hbm4b:s15+s6], $0x10, s2, s6, $0xb8;
	[tilespmem:$0x72C0] =	vst v63  }
0x3d: {  	_ =	swait.ge [sflag:s7], $0x6400  }
0x3e: {  	s20 =	sadd.s32 $0x7B5A00, s26;
	[sflag:s7] =	ssyncset.done $0x0  }
0x3f: {  	s16 =	sadd.s32 s20, s16;
	[sflag:s7] =	ssyncadd.s32 $0xFFFF9C00  }
0x40: {  	[hbm4b:s16+s2] =	stream.linear.scatter [tilespmem:s6], [sflag:$0x2], $0x6400, $0x38;
	[tilespmem:$0x72C0] =	vst v63  }
0x41: {  	_ =	swait.ge [sflag:s3], $0x6400  }
0x42: {  	[sflag:s3] =	ssyncset.done $0x0  }
0x43: {  	[sflag:s3] =	ssyncadd.s32 $0xFFFF9C00  }
0x44: {  	[tilespmem:s2], [sflag:$0x2] =	stream.linear.gather [hbm4b:s9+s2], $0x640, $0x38;
	[tilespmem:$0x72C0] =	vst v63  }
0x45: {  	_ =	swait.ge [sflag:s3], $0x640  }
0x46: {  	[sflag:s3] =	ssyncset.done $0x0  }
0x47: {  	[sflag:s3] =	ssyncadd.s32 $0xFFFFF9C0  }
0x48: {  	[tilespmem:s6], [sflag:$0x1] =	stream.indirect.gather [hbm4b:s15+s6], $0x10, s2, s6, $0xb8;
	[tilespmem:$0x72C0] =	vst v63  }
0x49: {  	_ =	swait.ge [sflag:s7], $0x6400  }
0x4a: {  	[sflag:s7] =	ssyncset.done $0x0  }
0x4b: {  	s17 =	sadd.s32 s20, s17;
	[sflag:s7] =	ssyncadd.s32 $0xFFFF9C00  }
0x4c: {  	[hbm4b:s17+s2] =	stream.linear.scatter [tilespmem:s6], [sflag:$0x2], $0x6400, $0x38;
	[tilespmem:$0x72C0] =	vst v63  }
0x4d: {  	_ =	swait.ge [sflag:s3], $0x6400  }
0x4e: {  	[sflag:s3] =	ssyncset.done $0x0  }
0x4f: {  	[sflag:s3] =	ssyncadd.s32 $0xFFFF9C00  }
0x50: {  	[tilespmem:s2], [sflag:$0x2] =	stream.linear.gather [hbm4b:s11+s2], $0x640, $0x38;
	[tilespmem:$0x72C0] =	vst v63  }
0x51: {  	_ =	swait.ge [sflag:s3], $0x640  }
0x52: {  	[sflag:s3] =	ssyncset.done $0x0  }
0x53: {  	[sflag:s3] =	ssyncadd.s32 $0xFFFFF9C0  }
0x54: {  	[tilespmem:s6], [sflag:$0x1] =	stream.indirect.gather [hbm4b:s15+s6], $0x10, s2, s6, $0xb8;
	[tilespmem:$0x72C0] =	vst v63  }
0x55: {  	_ =	swait.ge [sflag:s7], $0x6400  }
0x56: {  	[sflag:s7] =	ssyncset.done $0x0  }
0x57: {  	s18 =	sadd.s32 s20, s18;
	[sflag:s7] =	ssyncadd.s32 $0xFFFF9C00  }
0x58: {  	[hbm4b:s18+s2] =	stream.linear.scatter [tilespmem:s6], [sflag:$0x2], $0x6400, $0x38;
	[tilespmem:$0x72C0] =	vst v63  }
0x59: {  	_ =	swait.ge [sflag:s3], $0x6400  }
0x5a: {  	[sflag:s3] =	ssyncset.done $0x0  }
0x5b: {  	[sflag:s3] =	ssyncadd.s32 $0xFFFF9C00  }
0x5c: {  	[tilespmem:s2], [sflag:$0x2] =	stream.linear.gather [hbm4b:s13+s2], $0x640, $0x38;
	[tilespmem:$0x72C0] =	vst v63  }
0x5d: {  	_ =	swait.ge [sflag:s3], $0x640  }
0x5e: {  	[sflag:s3] =	ssyncset.done $0x0  }
0x5f: {  	[sflag:s3] =	ssyncadd.s32 $0xFFFFF9C0  }
0x60: {  	[tilespmem:s6], [sflag:$0x1] =	stream.indirect.gather [hbm4b:s15+s6], $0x10, s2, s6, $0xb8;
	[tilespmem:$0x72C0] =	vst v63  }
0x61: {  	_ =	swait.ge [sflag:s7], $0x6400  }
0x62: {  	[sflag:s7] =	ssyncset.done $0x0  }
0x63: {  	s19 =	sadd.s32 s20, s30;
	[sflag:s7] =	ssyncadd.s32 $0xFFFF9C00  }
0x64: {  	[hbm4b:s19+s2] =	stream.linear.scatter [tilespmem:s6], [sflag:$0x2], $0x6400, $0x38;
	[tilespmem:$0x72C0] =	vst v63  }
0x65: {  	s31 =	sshll.u32 s25, $0x4;
	_ =	swait.ge [sflag:s3], $0x6400  }
0x66: {  	s20 =	sadd.s32 s31, s26;
	[sflag:s3] =	ssyncset.done $0x0  }
0x67: {  	s21 =	simm.s32 $0x6A40;
	s20 =	sadd.s32 $0x1800, s20;
	[sflag:s3] =	ssyncadd.s32 $0xFFFF9C00  }
0x68: {  	[tilespmem:s21], [sflag:$0x2] =	stream.linear.gather [hbm4b:s20+s2], $0x80, $0x38;
	[tilespmem:$0x72C0] =	vst v63  }
0x69: {  	_ =	swait.ge [sflag:s3], $0x80  }
0x6a: {  	s23 =	simm.s32 $0x80;
	[sflag:s3] =	ssyncset.done $0x0  }
0x6b: {  	s24 =	simm.s32 $0x6AC0;
	s22 =	sadd.s32 $0x1A00, s26;
	[sflag:s3] =	ssyncadd.s32 $0xFFFFFF80  }
0x6c: {  	[tilespmem:s24], [sflag:$0x1] =	stream.indirect.gather [hbm4b:s22+s23], $0x10, s21, s23, $0xb8;
	[tilespmem:$0x72C0] =	vst v63  }
0x6d: {  	s25 =	sshll.u32 s25, $0x8;
	_ =	swait.ge [sflag:s7], $0x800  }
0x6e: {  	s29 =	sadd.s32 s25, s26;
	[sflag:s7] =	ssyncset.done $0x0  }
0x6f: {  	s28 =	ssub.s32 $0x2, s28;
	s25 =	sadd.s32 $0x7B1A00, s29;
	[sflag:s7] =	ssyncadd.s32 $0xFFFFF800  }
0x70: {  	[hbm4b:s25+s2] =	stream.linear.scatter [tilespmem:s24], [sflag:$0x2], $0x800, $0x38;
	[tilespmem:$0x72C0] =	vst v63  }
0x71: {  	s30 =	sshrl.u32 s28, $0x1;
	_ =	swait.ge [sflag:s3], $0x800  }
0x72: {  	s26 =	sadd.s32 $0x3D9A00, s26;
	s30 =	ssub.s32 s28, s30;
	[sflag:s3] =	ssyncset.done $0x0  }
0x73: {  	s28 =	sadd.s32 $0x7B3A00, s29;
	s29 =	smax.u32 s30, $0x1;
	[sflag:s3] =	ssyncadd.s32 $0xFFFFF800  }
0x74: {  	[tilespmem:s24], [sflag:$0x1] =	stream.indirect.gather [hbm4b:s26+s23], $0x10, s21, s23, $0xb8;
	[tilespmem:$0x72C0] =	vst v63  }
0x75: {  	p0 =	sne.s32 s29, $0x1;
	_ =	swait.ge [sflag:s7], $0x800  }
.Ltmp0:
0x76: {  	[sflag:s7] =	ssyncset.done $0x0;
	(pc) =	sbr.rel @!p0 .LBB2_2-.Ltmp0, $4  }
0x77: {  	[sflag:s7] =	ssyncadd.s32 $0xFFFFF800  }
0x78: {  	[hbm4b:s28+s2] =	stream.linear.scatter [tilespmem:s24], [sflag:$0x2], $0x800, $0x38;
	[tilespmem:$0x72C0] =	vst v63  }
0x79: {  	_ =	swait.ge [sflag:s3], $0x800  }
0x7a: {  	s29 =	sadd.s32 $0xFFFFFFFF, s29;
	[sflag:s3] =	ssyncset.done $0x0  }
.LBB2_1:
0x7b: {  	p0 =	sne.s32 s29, $0x1;
	s29 =	sadd.s32 $0xFFFFFFFF, s29;
	[sflag:s3] =	ssyncadd.s32 $0xFFFFF800  }
0x7c: {  	[tilespmem:s2], [sflag:$0x2] =	stream.linear.gather [hbm4b:s4+s2], $0x640, $0x38;
	[tilespmem:$0x72C0] =	vst v63  }
0x7d: {  	_ =	swait.ge [sflag:s3], $0x640  }
0x7e: {  	[sflag:s3] =	ssyncset.done $0x0  }
0x7f: {  	[sflag:s3] =	ssyncadd.s32 $0xFFFFF9C0  }
0x80: {  	[tilespmem:s6], [sflag:$0x1] =	stream.indirect.gather [hbm4b:s5+s6], $0x10, s2, s6, $0xb8;
	[tilespmem:$0x72C0] =	vst v63  }
0x81: {  	_ =	swait.ge [sflag:s7], $0x6400  }
0x82: {  	[sflag:s7] =	ssyncset.done $0x0  }
0x83: {  	[sflag:s7] =	ssyncadd.s32 $0xFFFF9C00  }
0x84: {  	[hbm4b:s8+s2] =	stream.linear.scatter [tilespmem:s6], [sflag:$0x2], $0x6400, $0x38;
	[tilespmem:$0x72C0] =	vst v63  }
0x85: {  	_ =	swait.ge [sflag:s3], $0x6400  }
0x86: {  	[sflag:s3] =	ssyncset.done $0x0  }
0x87: {  	[sflag:s3] =	ssyncadd.s32 $0xFFFF9C00  }
0x88: {  	[tilespmem:s2], [sflag:$0x2] =	stream.linear.gather [hbm4b:s9+s2], $0x640, $0x38;
	[tilespmem:$0x72C0] =	vst v63  }
0x89: {  	_ =	swait.ge [sflag:s3], $0x640  }
0x8a: {  	[sflag:s3] =	ssyncset.done $0x0  }
0x8b: {  	[sflag:s3] =	ssyncadd.s32 $0xFFFFF9C0  }
0x8c: {  	[tilespmem:s6], [sflag:$0x1] =	stream.indirect.gather [hbm4b:s5+s6], $0x10, s2, s6, $0xb8;
	[tilespmem:$0x72C0] =	vst v63  }
0x8d: {  	_ =	swait.ge [sflag:s7], $0x6400  }
0x8e: {  	[sflag:s7] =	ssyncset.done $0x0  }
0x8f: {  	[sflag:s7] =	ssyncadd.s32 $0xFFFF9C00  }
0x90: {  	[hbm4b:s10+s2] =	stream.linear.scatter [tilespmem:s6], [sflag:$0x2], $0x6400, $0x38;
	[tilespmem:$0x72C0] =	vst v63  }
0x91: {  	_ =	swait.ge [sflag:s3], $0x6400  }
0x92: {  	[sflag:s3] =	ssyncset.done $0x0  }
0x93: {  	[sflag:s3] =	ssyncadd.s32 $0xFFFF9C00  }
0x94: {  	[tilespmem:s2], [sflag:$0x2] =	stream.linear.gather [hbm4b:s11+s2], $0x640, $0x38;
	[tilespmem:$0x72C0] =	vst v63  }
0x95: {  	_ =	swait.ge [sflag:s3], $0x640  }
0x96: {  	[sflag:s3] =	ssyncset.done $0x0  }
0x97: {  	[sflag:s3] =	ssyncadd.s32 $0xFFFFF9C0  }
0x98: {  	[tilespmem:s6], [sflag:$0x1] =	stream.indirect.gather [hbm4b:s5+s6], $0x10, s2, s6, $0xb8;
	[tilespmem:$0x72C0] =	vst v63  }
0x99: {  	_ =	swait.ge [sflag:s7], $0x6400  }
0x9a: {  	[sflag:s7] =	ssyncset.done $0x0  }
0x9b: {  	[sflag:s7] =	ssyncadd.s32 $0xFFFF9C00  }
0x9c: {  	[hbm4b:s12+s2] =	stream.linear.scatter [tilespmem:s6], [sflag:$0x2], $0x6400, $0x38;
	[tilespmem:$0x72C0] =	vst v63  }
0x9d: {  	_ =	swait.ge [sflag:s3], $0x6400  }
0x9e: {  	[sflag:s3] =	ssyncset.done $0x0  }
0x9f: {  	[sflag:s3] =	ssyncadd.s32 $0xFFFF9C00  }
0xa0: {  	[tilespmem:s2], [sflag:$0x2] =	stream.linear.gather [hbm4b:s13+s2], $0x640, $0x38;
	[tilespmem:$0x72C0] =	vst v63  }
0xa1: {  	_ =	swait.ge [sflag:s3], $0x640  }
0xa2: {  	[sflag:s3] =	ssyncset.done $0x0  }
0xa3: {  	[sflag:s3] =	ssyncadd.s32 $0xFFFFF9C0  }
0xa4: {  	[tilespmem:s6], [sflag:$0x1] =	stream.indirect.gather [hbm4b:s5+s6], $0x10, s2, s6, $0xb8;
	[tilespmem:$0x72C0] =	vst v63  }
0xa5: {  	_ =	swait.ge [sflag:s7], $0x6400  }
0xa6: {  	[sflag:s7] =	ssyncset.done $0x0  }
0xa7: {  	[sflag:s7] =	ssyncadd.s32 $0xFFFF9C00  }
0xa8: {  	[hbm4b:s14+s2] =	stream.linear.scatter [tilespmem:s6], [sflag:$0x2], $0x6400, $0x38;
	[tilespmem:$0x72C0] =	vst v63  }
0xa9: {  	_ =	swait.ge [sflag:s3], $0x6400  }
0xaa: {  	[sflag:s3] =	ssyncset.done $0x0  }
0xab: {  	[sflag:s3] =	ssyncadd.s32 $0xFFFF9C00  }
0xac: {  	[tilespmem:s2], [sflag:$0x2] =	stream.linear.gather [hbm4b:s4+s2], $0x640, $0x38;
	[tilespmem:$0x72C0] =	vst v63  }
0xad: {  	_ =	swait.ge [sflag:s3], $0x640  }
0xae: {  	[sflag:s3] =	ssyncset.done $0x0  }
0xaf: {  	[sflag:s3] =	ssyncadd.s32 $0xFFFFF9C0  }
0xb0: {  	[tilespmem:s6], [sflag:$0x1] =	stream.indirect.gather [hbm4b:s15+s6], $0x10, s2, s6, $0xb8;
	[tilespmem:$0x72C0] =	vst v63  }
0xb1: {  	_ =	swait.ge [sflag:s7], $0x6400  }
0xb2: {  	[sflag:s7] =	ssyncset.done $0x0  }
0xb3: {  	[sflag:s7] =	ssyncadd.s32 $0xFFFF9C00  }
0xb4: {  	[hbm4b:s16+s2] =	stream.linear.scatter [tilespmem:s6], [sflag:$0x2], $0x6400, $0x38;
	[tilespmem:$0x72C0] =	vst v63  }
0xb5: {  	_ =	swait.ge [sflag:s3], $0x6400  }
0xb6: {  	[sflag:s3] =	ssyncset.done $0x0  }
0xb7: {  	[sflag:s3] =	ssyncadd.s32 $0xFFFF9C00  }
0xb8: {  	[tilespmem:s2], [sflag:$0x2] =	stream.linear.gather [hbm4b:s9+s2], $0x640, $0x38;
	[tilespmem:$0x72C0] =	vst v63  }
0xb9: {  	_ =	swait.ge [sflag:s3], $0x640  }
0xba: {  	[sflag:s3] =	ssyncset.done $0x0  }
0xbb: {  	[sflag:s3] =	ssyncadd.s32 $0xFFFFF9C0  }
0xbc: {  	[tilespmem:s6], [sflag:$0x1] =	stream.indirect.gather [hbm4b:s15+s6], $0x10, s2, s6, $0xb8;
	[tilespmem:$0x72C0] =	vst v63  }
0xbd: {  	_ =	swait.ge [sflag:s7], $0x6400  }
0xbe: {  	[sflag:s7] =	ssyncset.done $0x0  }
0xbf: {  	[sflag:s7] =	ssyncadd.s32 $0xFFFF9C00  }
0xc0: {  	[hbm4b:s17+s2] =	stream.linear.scatter [tilespmem:s6], [sflag:$0x2], $0x6400, $0x38;
	[tilespmem:$0x72C0] =	vst v63  }
0xc1: {  	_ =	swait.ge [sflag:s3], $0x6400  }
0xc2: {  	[sflag:s3] =	ssyncset.done $0x0  }
0xc3: {  	[sflag:s3] =	ssyncadd.s32 $0xFFFF9C00  }
0xc4: {  	[tilespmem:s2], [sflag:$0x2] =	stream.linear.gather [hbm4b:s11+s2], $0x640, $0x38;
	[tilespmem:$0x72C0] =	vst v63  }
0xc5: {  	_ =	swait.ge [sflag:s3], $0x640  }
0xc6: {  	[sflag:s3] =	ssyncset.done $0x0  }
0xc7: {  	[sflag:s3] =	ssyncadd.s32 $0xFFFFF9C0  }
0xc8: {  	[tilespmem:s6], [sflag:$0x1] =	stream.indirect.gather [hbm4b:s15+s6], $0x10, s2, s6, $0xb8;
	[tilespmem:$0x72C0] =	vst v63  }
0xc9: {  	_ =	swait.ge [sflag:s7], $0x6400  }
0xca: {  	[sflag:s7] =	ssyncset.done $0x0  }
0xcb: {  	[sflag:s7] =	ssyncadd.s32 $0xFFFF9C00  }
0xcc: {  	[hbm4b:s18+s2] =	stream.linear.scatter [tilespmem:s6], [sflag:$0x2], $0x6400, $0x38;
	[tilespmem:$0x72C0] =	vst v63  }
0xcd: {  	_ =	swait.ge [sflag:s3], $0x6400  }
0xce: {  	[sflag:s3] =	ssyncset.done $0x0  }
0xcf: {  	[sflag:s3] =	ssyncadd.s32 $0xFFFF9C00  }
0xd0: {  	[tilespmem:s2], [sflag:$0x2] =	stream.linear.gather [hbm4b:s13+s2], $0x640, $0x38;
	[tilespmem:$0x72C0] =	vst v63  }
0xd1: {  	_ =	swait.ge [sflag:s3], $0x640  }
0xd2: {  	[sflag:s3] =	ssyncset.done $0x0  }
0xd3: {  	[sflag:s3] =	ssyncadd.s32 $0xFFFFF9C0  }
0xd4: {  	[tilespmem:s6], [sflag:$0x1] =	stream.indirect.gather [hbm4b:s15+s6], $0x10, s2, s6, $0xb8;
	[tilespmem:$0x72C0] =	vst v63  }
0xd5: {  	_ =	swait.ge [sflag:s7], $0x6400  }
0xd6: {  	[sflag:s7] =	ssyncset.done $0x0  }
0xd7: {  	[sflag:s7] =	ssyncadd.s32 $0xFFFF9C00  }
0xd8: {  	[hbm4b:s19+s2] =	stream.linear.scatter [tilespmem:s6], [sflag:$0x2], $0x6400, $0x38;
	[tilespmem:$0x72C0] =	vst v63  }
0xd9: {  	_ =	swait.ge [sflag:s3], $0x6400  }
0xda: {  	[sflag:s3] =	ssyncset.done $0x0  }
0xdb: {  	[sflag:s3] =	ssyncadd.s32 $0xFFFF9C00  }
0xdc: {  	[tilespmem:s21], [sflag:$0x2] =	stream.linear.gather [hbm4b:s20+s2], $0x80, $0x38;
	[tilespmem:$0x72C0] =	vst v63  }
0xdd: {  	_ =	swait.ge [sflag:s3], $0x80  }
0xde: {  	[sflag:s3] =	ssyncset.done $0x0  }
0xdf: {  	[sflag:s3] =	ssyncadd.s32 $0xFFFFFF80  }
0xe0: {  	[tilespmem:s24], [sflag:$0x1] =	stream.indirect.gather [hbm4b:s22+s23], $0x10, s21, s23, $0xb8;
	[tilespmem:$0x72C0] =	vst v63  }
0xe1: {  	_ =	swait.ge [sflag:s7], $0x800  }
0xe2: {  	[sflag:s7] =	ssyncset.done $0x0  }
0xe3: {  	[sflag:s7] =	ssyncadd.s32 $0xFFFFF800  }
0xe4: {  	[hbm4b:s25+s2] =	stream.linear.scatter [tilespmem:s24], [sflag:$0x2], $0x800, $0x38;
	[tilespmem:$0x72C0] =	vst v63  }
0xe5: {  	_ =	swait.ge [sflag:s3], $0x800  }
0xe6: {  	[sflag:s3] =	ssyncset.done $0x0  }
0xe7: {  	[sflag:s3] =	ssyncadd.s32 $0xFFFFF800  }
0xe8: {  	[tilespmem:s24], [sflag:$0x1] =	stream.indirect.gather [hbm4b:s26+s23], $0x10, s21, s23, $0xb8;
	[tilespmem:$0x72C0] =	vst v63  }
0xe9: {  	_ =	swait.ge [sflag:s7], $0x800  }
.Ltmp1:
0xea: {  	[sflag:s7] =	ssyncset.done $0x0;
	(pc) =	sbr.rel @p0 .LBB2_1-.Ltmp1, $4  }
0xeb: {  	[sflag:s7] =	ssyncadd.s32 $0xFFFFF800  }
0xec: {  	[hbm4b:s28+s2] =	stream.linear.scatter [tilespmem:s24], [sflag:$0x2], $0x800, $0x38;
	[tilespmem:$0x72C0] =	vst v63  }
0xed: {  	_ =	swait.ge [sflag:s3], $0x800  }
0xee: {  	[sflag:s3] =	ssyncset.done $0x0  }
.LBB2_2:
0xef: {  	[sflag:s3] =	ssyncadd.s32 $0xFFFFF800  }
0xf0: {  	_ =	sfence.sel $0x180000  }
0xf1: {  	[bflag:$0x0] =	sbarrier.arrive $0xFFFF  }
0xf2: {  	p0 =	sne.s32 s0, $0x0;
	_ =	strace $0x90000047  }
0xf3: {  	s0 =	sadd.s32 @!p0 $0x100000, s1;
	[bflag:$0x2] =	sbarrier.arrive $0xFFFF  }
0xf4: {  	[sflag:s0] =	ssyncadd.tile.s32 @!p0 $0x1;
	_ =	shalt  }
.Lfunc_end2:
_tile_overlayer_lowered:
.L_overlay_start_2:
0xf5: {  	(tag) =	ssettag $0x2  }
0xf6: {  	s0 =	rddreg [dreg:$0x0];
	s2 =	stileid.u32  }
0xf7: {  	s1 =	rddreg [dreg:$0x1];
	p0 =	sne.s32 s2, $0x0  }
0xf8: {  	s3 =	rddreg [dreg:$0x2];
	[bflag:$0x3] =	sbarrier.arrive $0xFFFF;
	s2 =	simm.s32 @!p0 $0x1C02  }
0xf9: {  	[timem:s3], [sflag:s2] =	dma.local @!p0 [hbm:s0], s1  }
0xfa: {  	s0 =	simm.s32 @!p0 $0x2  }
0xfb: {  	_ =	swait.ge @!p0 [sflag:s0], s1  }
0xfc: {  	s1 =	ssub.s32 @!p0 $0x0, s1;
	[sflag:s0] =	ssyncset.done @!p0 $0x0  }
0xfd: {  	[sflag:s0] =	ssyncadd.s32 @!p0 s1  }
0xfe: {  	[bflag:$0x3] =	sbarrier.arrive $0xFFFF  }
0xff: {  	_ =	shalt  }

</sc_bundles>
